<compile_context>
chip_gen: v7x
topology: tpu7x:2x2x1
jax: 0.10.2.dev20260603
libtpu: 0.0.44.dev20260713+nightly
codegen_flags: <defaults>
</compile_context>

<pallas_src>
import functools

import jax
import jax.numpy as jnp
from jax import lax
from jax.experimental import pallas as pl
from jax.experimental.pallas import tpu as pltpu
from jax.experimental.pallas import tpu_sc as plsc

LANES = 16


def kernel(x, tables):
    B, L = x.shape
    D = tables.shape[2]
    info = plsc.get_sparse_core_info()
    NC, NS = info.num_cores, info.num_subcores
    NW = NC * NS
    BW = B // NW
    CB = 16
    NCH = BW // CB
    CHUNK = CB * L
    NV = CHUNK // LANES

    flat_tab = tables.reshape(L * D, D)
    x_flat = x.reshape(B * L).astype(jnp.int32)
    off = jnp.tile(jnp.arange(L, dtype=jnp.int32) * D, CB)

    mesh = plsc.VectorSubcoreMesh(core_axis_name="c", subcore_axis_name="s")

    @functools.partial(
        pl.kernel,
        mesh=mesh,
        compiler_params=pltpu.CompilerParams(use_tc_tiling_on_sc=False),
        out_type=jax.ShapeDtypeStruct((B * L, D), jnp.float32),
        scratch_types=[
            pltpu.VMEM((CHUNK,), jnp.int32),
            pltpu.VMEM((CHUNK,), jnp.int32),
            pltpu.VMEM((CHUNK,), jnp.int32),
            pltpu.VMEM((CHUNK,), jnp.int32),
            pltpu.VMEM((CHUNK,), jnp.int32),
            pltpu.VMEM((CHUNK, D), jnp.float32),
            pltpu.VMEM((CHUNK, D), jnp.float32),
            pltpu.VMEM_SHARED((L * D, D), jnp.float32),
            pltpu.SemaphoreType.DMA,
            pltpu.SemaphoreType.DMA,
            pltpu.SemaphoreType.DMA,
            pltpu.SemaphoreType.DMA,
            pltpu.SemaphoreType.DMA,
            pltpu.SemaphoreType.DMA,
        ],
    )
    def k(x_hbm, off_hbm, tab_hbm, out_hbm,
          idx0, idx1, idx2, idx3, off_v, rows0, rows1, tab_sh,
          sx0, sx1, sg0, sg1, so0, so1):
        idx = (idx0, idx1, idx2, idx3)
        rows = (rows0, rows1)
        sx = (sx0, sx1)
        sg = (sg0, sg1)
        so = (so0, so1)
        wid = lax.axis_index("s") * NC + lax.axis_index("c")
        base = wid * (BW * L)
        pltpu.sync_copy(off_hbm, off_v)
        @pl.when(lax.axis_index("s") == 0)
        def _():
            pltpu.sync_copy(tab_hbm, tab_sh)

        plsc.subcore_barrier()
        pltpu.async_copy(x_hbm.at[pl.ds(base, CHUNK)], idx[0], sx[0])

        def x_slice(c):
            return x_hbm.at[pl.ds(base + c * CHUNK, CHUNK)]

        def out_slice(c):
            return out_hbm.at[pl.ds(base + c * CHUNK, CHUNK)]

        @pl.loop(0, NCH // 4)
        def _(c4):
            for u in range(4):
                c = c4 * 4 + u
                i_cur = u & 3
                i_nxt = (u + 1) & 3
                i_prv = (u - 1) & 3
                r_cur = u & 1
                r_prv = (u - 1) & 1

                @pl.when(c + 1 < NCH)
                def _():
                    pltpu.async_copy(x_slice(c + 1), idx[i_nxt], sx[(u + 1) & 1])

                pltpu.make_async_copy(x_slice(c), idx[i_cur], sx[u & 1]).wait()

                @pl.loop(0, NV, unroll=8)
                def _(j):
                    s = pl.ds(pl.multiple_of(j * LANES, LANES), LANES)
                    idx[i_cur][s] = idx[i_cur][s] + off_v[s]

                @pl.when(c >= 2)
                def _():
                    pltpu.make_async_copy(
                        rows[r_cur], out_slice(c), so[r_cur]).wait()

                pltpu.async_copy(tab_sh.at[idx[i_cur]], rows[r_cur], sg[r_cur])

                @pl.when(c > 0)
                def _():
                    pltpu.make_async_copy(
                        tab_sh.at[idx[i_prv]], rows[r_prv], sg[r_prv]).wait()
                    pltpu.async_copy(rows[r_prv], out_slice(c - 1), so[r_prv])

        lastr = (NCH - 1) & 1
        pltpu.make_async_copy(
            tab_sh.at[idx[(NCH - 1) & 3]], rows[lastr], sg[lastr]).wait()
        pltpu.async_copy(rows[lastr], out_slice(NCH - 1), so[lastr])
        for b in (0, 1):
            pltpu.make_async_copy(rows[b], out_slice(0), so[b]).wait()

    out = k(x_flat, off, flat_tab)
    return out.reshape(B, L * D)

# --- scband reference (transcript-rebuilt; emitter-appended) ---
"""Pipeline reference for scband-fingerprints-encoder-26963804684606 (READ-ONLY COPY).

The authoritative reference and input builder live on the scoring server;
editing this copy changes nothing except your own understanding.
"""

import jax, jax.numpy as jnp
import numpy as np

FP_LENGTH = 100
EMB_DIM = 16
BATCH = 16384


def setup_inputs(seed: int = 0) -> dict:
    key = jax.random.key(seed)
    k_idx, k_tab = jax.random.split(key)
    x = jax.random.randint(k_idx, (BATCH, FP_LENGTH), 0, EMB_DIM, dtype=jnp.int64 if jax.config.jax_enable_x64 else jnp.int32)
    # Stacked embedding tables: one [EMB_DIM, EMB_DIM] table per fingerprint position,
    # xavier_uniform init like the torch module.
    limit = np.sqrt(6.0 / (EMB_DIM + EMB_DIM))
    tables = jax.random.uniform(k_tab, (FP_LENGTH, EMB_DIM, EMB_DIM), dtype=jnp.float32, minval=-limit, maxval=limit)
    return {"x": x, "tables": tables}


def reference(x, tables):
    # For each column i of x, look up tables[i][x[:, i]] -> [B, D];
    # concatenating over i along dim 1 == gather [B, L, D] then reshape to [B, L*D].
    L = tables.shape[0]
    col_ids = jnp.arange(L)[None, :]            # [1, L]
    emb = tables[col_ids, x]                    # [B, L, D] via advanced-index gather
    return emb.reshape(x.shape[0], L * tables.shape[2])

if __name__ == "__main__":
    import jax
    _d = setup_inputs()
    print(jax.jit(kernel)(*tuple(_d.values())))

</pallas_src>

<mosaic_0001>
#map = affine_map<(d0, d1) -> (0)>
#map1 = affine_map<(d0, d1) -> (0, 0)>
module attributes {stable_mosaic.version = 14 : i64} {
  func.func @k(%arg0: i32, %arg1: i32, %arg2: memref<1638400xi32, #tpu.memory_space<hbm>>, %arg3: memref<1600xi32, #tpu.memory_space<hbm>>, %arg4: memref<1600x16xf32, #tpu.memory_space<hbm>>, %arg5: memref<1638400x16xf32, #tpu.memory_space<hbm>>, %arg6: memref<1600xi32, #tpu.memory_space<vmem>>, %arg7: memref<1600xi32, #tpu.memory_space<vmem>>, %arg8: memref<1600xi32, #tpu.memory_space<vmem>>, %arg9: memref<1600xi32, #tpu.memory_space<vmem>>, %arg10: memref<1600xi32, #tpu.memory_space<vmem>>, %arg11: memref<1600x16xf32, #tpu.memory_space<vmem>>, %arg12: memref<1600x16xf32, #tpu.memory_space<vmem>>, %arg13: memref<1600x16xf32, #tpu.memory_space<vmem_shared>>, %arg14: memref<!tpu.dma_semaphore, #tpu.memory_space<semaphore_mem>>, %arg15: memref<!tpu.dma_semaphore, #tpu.memory_space<semaphore_mem>>, %arg16: memref<!tpu.dma_semaphore, #tpu.memory_space<semaphore_mem>>, %arg17: memref<!tpu.dma_semaphore, #tpu.memory_space<semaphore_mem>>, %arg18: memref<!tpu.dma_semaphore, #tpu.memory_space<semaphore_mem>>, %arg19: memref<!tpu.dma_semaphore, #tpu.memory_space<semaphore_mem>>) attributes {dimension_semantics = [#tpu.dimension_semantics<core_parallel>, #tpu.dimension_semantics<subcore_parallel>], iteration_bounds = array<i64: 2, 16>, scalar_prefetch = 0 : i64, scratch_operands = 14 : i64, tpu.core_type = #tpu.core_type<sc_vector_subcore>, window_params = [{transform_indices = #map}, {transform_indices = #map}, {transform_indices = #map1}, {transform_indices = #map1}]} {
    %mul3A = arith.constant 2 : i32
    %mul3A_0 = arith.muli %arg1, %mul3A : i32
    %add3A = arith.addi %mul3A_0, %arg0 : i32
    %mul3A_1 = arith.constant 51200 : i32
    %mul3A_2 = arith.muli %add3A, %mul3A_1 : i32
    "tpu.region"() ({
      %run_scoped3A = tpu.sem_alloc : memref<!tpu.dma_semaphore, #tpu.memory_space<semaphore_mem>>
      tpu.enqueue_dma source(%arg3 : memref<1600xi32, #tpu.memory_space<hbm>>) target(%arg10 : memref<1600xi32, #tpu.memory_space<vmem>>) target_semaphore(%run_scoped3A : memref<!tpu.dma_semaphore, #tpu.memory_space<semaphore_mem>>)
      tpu.wait_dma2 semaphore(%run_scoped3A : memref<!tpu.dma_semaphore, #tpu.memory_space<semaphore_mem>>) src(%arg3 : memref<1600xi32, #tpu.memory_space<hbm>>) dst(%arg10 : memref<1600xi32, #tpu.memory_space<vmem>>)
      tpu.yield
    }) : () -> ()
    %eq3A = arith.constant 0 : i32
    %eq3A_3 = arith.cmpi eq, %arg1, %eq3A : i32
    %convert_element_type3A = arith.extui %eq3A_3 : i1 to i32
    %cond3A = arith.constant 0 : i32
    %cond3A_4 = arith.cmpi ne, %convert_element_type3A, %cond3A : i32
    scf.if %cond3A_4 {
      "tpu.region"() ({
        %run_scoped3A = tpu.sem_alloc : memref<!tpu.dma_semaphore, #tpu.memory_space<semaphore_mem>>
        tpu.enqueue_dma source(%arg4 : memref<1600x16xf32, #tpu.memory_space<hbm>>) target(%arg13 : memref<1600x16xf32, #tpu.memory_space<vmem_shared>>) target_semaphore(%run_scoped3A : memref<!tpu.dma_semaphore, #tpu.memory_space<semaphore_mem>>)
        tpu.wait_dma2 semaphore(%run_scoped3A : memref<!tpu.dma_semaphore, #tpu.memory_space<semaphore_mem>>) src(%arg4 : memref<1600x16xf32, #tpu.memory_space<hbm>>) dst(%arg13 : memref<1600x16xf32, #tpu.memory_space<vmem_shared>>)
        tpu.yield
      }) : () -> ()
    } else {
    }
    %barrier3A = arith.constant 0 : index
    tpu.barrier barrier_id(%barrier3A)
    %dma_start3A = tpu.memref_slice %arg2[%mul3A_2] : memref<1638400xi32, #tpu.memory_space<hbm>> -> memref<1600xi32, #tpu.memory_space<hbm>>
    %dma_start3A_5 = tpu.memref_slice %arg2[%mul3A_2] : memref<1638400xi32, #tpu.memory_space<hbm>> -> memref<1600xi32, #tpu.memory_space<hbm>>
    tpu.enqueue_dma source(%dma_start3A_5 : memref<1600xi32, #tpu.memory_space<hbm>>) target(%arg6 : memref<1600xi32, #tpu.memory_space<vmem>>) target_semaphore(%arg14 : memref<!tpu.dma_semaphore, #tpu.memory_space<semaphore_mem>>)
    %scan3A = arith.constant 0 : i32
    %scan3A_6 = arith.constant 8 : i32
    %scan3A_7 = arith.addi %scan3A, %scan3A_6 : i32
    %scan3A_8 = arith.constant 1 : i32
    scf.for %scan3A_30 = %scan3A to %scan3A_7 step %scan3A_8  : i32 {
      %mul3A_31 = arith.constant 1 : i32
      %mul3A_32 = arith.muli %scan3A_30, %mul3A_31 : i32
      %add3A_33 = arith.constant 0 : i32
      %add3A_34 = arith.addi %add3A_33, %mul3A_32 : i32
      %mul3A_35 = arith.constant 4 : i32
      %mul3A_36 = arith.muli %add3A_34, %mul3A_35 : i32
      %add3A_37 = arith.constant 0 : i32
      %add3A_38 = arith.addi %mul3A_36, %add3A_37 : i32
      %add3A_39 = arith.constant 1 : i32
      %add3A_40 = arith.addi %add3A_38, %add3A_39 : i32
      %lt3A = arith.constant 32 : i32
      %lt3A_41 = arith.cmpi slt, %add3A_40, %lt3A : i32
      %convert_element_type3A_42 = arith.extui %lt3A_41 : i1 to i32
      %cond3A_43 = arith.constant 0 : i32
      %cond3A_44 = arith.cmpi ne, %convert_element_type3A_42, %cond3A_43 : i32
      scf.if %cond3A_44 {
        %add3A_485 = arith.constant 1 : i32
        %add3A_486 = arith.addi %add3A_38, %add3A_485 : i32
        %mul3A_487 = arith.constant 1600 : i32
        %mul3A_488 = arith.muli %add3A_486, %mul3A_487 : i32
        %add3A_489 = arith.addi %mul3A_2, %mul3A_488 : i32
        %dma_start3A_490 = tpu.memref_slice %arg2[%add3A_489] : memref<1638400xi32, #tpu.memory_space<hbm>> -> memref<1600xi32, #tpu.memory_space<hbm>>
        %dma_start3A_491 = tpu.memref_slice %arg2[%add3A_489] : memref<1638400xi32, #tpu.memory_space<hbm>> -> memref<1600xi32, #tpu.memory_space<hbm>>
        tpu.enqueue_dma source(%dma_start3A_491 : memref<1600xi32, #tpu.memory_space<hbm>>) target(%arg7 : memref<1600xi32, #tpu.memory_space<vmem>>) target_semaphore(%arg15 : memref<!tpu.dma_semaphore, #tpu.memory_space<semaphore_mem>>)
      } else {
      }
      %mul3A_45 = arith.constant 1600 : i32
      %mul3A_46 = arith.muli %add3A_38, %mul3A_45 : i32
      %add3A_47 = arith.addi %mul3A_2, %mul3A_46 : i32
      %dma_wait3A_48 = tpu.memref_slice %arg2[%add3A_47] : memref<1638400xi32, #tpu.memory_space<hbm>> -> memref<1600xi32, #tpu.memory_space<hbm>>
      %dma_wait3A_49 = tpu.memref_slice %arg2[%add3A_47] : memref<1638400xi32, #tpu.memory_space<hbm>> -> memref<1600xi32, #tpu.memory_space<hbm>>
      tpu.wait_dma2 semaphore(%arg14 : memref<!tpu.dma_semaphore, #tpu.memory_space<semaphore_mem>>) src(%dma_wait3A_49 : memref<1600xi32, #tpu.memory_space<hbm>>) dst(%arg6 : memref<1600xi32, #tpu.memory_space<vmem>>)
      %scan3A_50 = arith.constant 0 : i32
      %scan3A_51 = arith.constant 96 : i32
      %scan3A_52 = arith.addi %scan3A_50, %scan3A_51 : i32
      %scan3A_53 = arith.constant 8 : i32
      scf.for %scan3A_485 = %scan3A_50 to %scan3A_52 step %scan3A_53  : i32 {
        %mul3A_486 = arith.constant 1 : i32
        %mul3A_487 = arith.muli %scan3A_485, %mul3A_486 : i32
        %add3A_488 = arith.constant 0 : i32
        %add3A_489 = arith.addi %add3A_488, %mul3A_487 : i32
        %mul3A_490 = arith.constant 16 : i32
        %mul3A_491 = arith.muli %add3A_489, %mul3A_490 : i32
        %multiple_of3A_492 = tpu.assume_multiple %mul3A_491, 16 : i32
        %get3A_493 = arith.index_cast %multiple_of3A_492 : i32 to index
        %get3A_494 = tpu.vector_load %arg6[%get3A_493] {strides = array<i32>} : memref<1600xi32, #tpu.memory_space<vmem>>, vector<16xi32>,
        %get3A_495 = vector.shape_cast %get3A_494 : vector<16xi32> to vector<16xi32>
        %get3A_496 = arith.index_cast %multiple_of3A_492 : i32 to index
        %get3A_497 = tpu.vector_load %arg10[%get3A_496] {strides = array<i32>} : memref<1600xi32, #tpu.memory_space<vmem>>, vector<16xi32>,
        %get3A_498 = vector.shape_cast %get3A_497 : vector<16xi32> to vector<16xi32>
        %add3A_499 = arith.addi %get3A_495, %get3A_498 : vector<16xi32>
        %swap3A_500 = arith.index_cast %multiple_of3A_492 : i32 to index
        %swap3A_501 = tpu.vector_load %arg6[%swap3A_500] {strides = array<i32>} : memref<1600xi32, #tpu.memory_space<vmem>>, vector<16xi32>,
        %swap3A_502 = vector.shape_cast %swap3A_501 : vector<16xi32> to vector<16xi32>
        %swap3A_503 = vector.shape_cast %add3A_499 : vector<16xi32> to vector<16xi32>
        tpu.vector_store %arg6[%swap3A_500], %swap3A_503 {strides = array<i32>} : memref<1600xi32, #tpu.memory_space<vmem>>, vector<16xi32>,
        %scan3A_504 = arith.constant 1 : i32
        %scan3A_505 = arith.addi %scan3A_485, %scan3A_504 : i32
        %mul3A_506 = arith.constant 1 : i32
        %mul3A_507 = arith.muli %scan3A_505, %mul3A_506 : i32
        %add3A_508 = arith.constant 0 : i32
        %add3A_509 = arith.addi %add3A_508, %mul3A_507 : i32
        %mul3A_510 = arith.constant 16 : i32
        %mul3A_511 = arith.muli %add3A_509, %mul3A_510 : i32
        %multiple_of3A_512 = tpu.assume_multiple %mul3A_511, 16 : i32
        %get3A_513 = arith.index_cast %multiple_of3A_512 : i32 to index
        %get3A_514 = tpu.vector_load %arg6[%get3A_513] {strides = array<i32>} : memref<1600xi32, #tpu.memory_space<vmem>>, vector<16xi32>,
        %get3A_515 = vector.shape_cast %get3A_514 : vector<16xi32> to vector<16xi32>
        %get3A_516 = arith.index_cast %multiple_of3A_512 : i32 to index
        %get3A_517 = tpu.vector_load %arg10[%get3A_516] {strides = array<i32>} : memref<1600xi32, #tpu.memory_space<vmem>>, vector<16xi32>,
        %get3A_518 = vector.shape_cast %get3A_517 : vector<16xi32> to vector<16xi32>
        %add3A_519 = arith.addi %get3A_515, %get3A_518 : vector<16xi32>
        %swap3A_520 = arith.index_cast %multiple_of3A_512 : i32 to index
        %swap3A_521 = tpu.vector_load %arg6[%swap3A_520] {strides = array<i32>} : memref<1600xi32, #tpu.memory_space<vmem>>, vector<16xi32>,
        %swap3A_522 = vector.shape_cast %swap3A_521 : vector<16xi32> to vector<16xi32>
        %swap3A_523 = vector.shape_cast %add3A_519 : vector<16xi32> to vector<16xi32>
        tpu.vector_store %arg6[%swap3A_520], %swap3A_523 {strides = array<i32>} : memref<1600xi32, #tpu.memory_space<vmem>>, vector<16xi32>,
        %scan3A_524 = arith.constant 2 : i32
        %scan3A_525 = arith.addi %scan3A_485, %scan3A_524 : i32
        %mul3A_526 = arith.constant 1 : i32
        %mul3A_527 = arith.muli %scan3A_525, %mul3A_526 : i32
        %add3A_528 = arith.constant 0 : i32
        %add3A_529 = arith.addi %add3A_528, %mul3A_527 : i32
        %mul3A_530 = arith.constant 16 : i32
        %mul3A_531 = arith.muli %add3A_529, %mul3A_530 : i32
        %multiple_of3A_532 = tpu.assume_multiple %mul3A_531, 16 : i32
        %get3A_533 = arith.index_cast %multiple_of3A_532 : i32 to index
        %get3A_534 = tpu.vector_load %arg6[%get3A_533] {strides = array<i32>} : memref<1600xi32, #tpu.memory_space<vmem>>, vector<16xi32>,
        %get3A_535 = vector.shape_cast %get3A_534 : vector<16xi32> to vector<16xi32>
        %get3A_536 = arith.index_cast %multiple_of3A_532 : i32 to index
        %get3A_537 = tpu.vector_load %arg10[%get3A_536] {strides = array<i32>} : memref<1600xi32, #tpu.memory_space<vmem>>, vector<16xi32>,
        %get3A_538 = vector.shape_cast %get3A_537 : vector<16xi32> to vector<16xi32>
        %add3A_539 = arith.addi %get3A_535, %get3A_538 : vector<16xi32>
        %swap3A_540 = arith.index_cast %multiple_of3A_532 : i32 to index
        %swap3A_541 = tpu.vector_load %arg6[%swap3A_540] {strides = array<i32>} : memref<1600xi32, #tpu.memory_space<vmem>>, vector<16xi32>,
        %swap3A_542 = vector.shape_cast %swap3A_541 : vector<16xi32> to vector<16xi32>
        %swap3A_543 = vector.shape_cast %add3A_539 : vector<16xi32> to vector<16xi32>
        tpu.vector_store %arg6[%swap3A_540], %swap3A_543 {strides = array<i32>} : memref<1600xi32, #tpu.memory_space<vmem>>, vector<16xi32>,
        %scan3A_544 = arith.constant 3 : i32
        %scan3A_545 = arith.addi %scan3A_485, %scan3A_544 : i32
        %mul3A_546 = arith.constant 1 : i32
        %mul3A_547 = arith.muli %scan3A_545, %mul3A_546 : i32
        %add3A_548 = arith.constant 0 : i32
        %add3A_549 = arith.addi %add3A_548, %mul3A_547 : i32
        %mul3A_550 = arith.constant 16 : i32
        %mul3A_551 = arith.muli %add3A_549, %mul3A_550 : i32
        %multiple_of3A_552 = tpu.assume_multiple %mul3A_551, 16 : i32
        %get3A_553 = arith.index_cast %multiple_of3A_552 : i32 to index
        %get3A_554 = tpu.vector_load %arg6[%get3A_553] {strides = array<i32>} : memref<1600xi32, #tpu.memory_space<vmem>>, vector<16xi32>,
        %get3A_555 = vector.shape_cast %get3A_554 : vector<16xi32> to vector<16xi32>
        %get3A_556 = arith.index_cast %multiple_of3A_552 : i32 to index
        %get3A_557 = tpu.vector_load %arg10[%get3A_556] {strides = array<i32>} : memref<1600xi32, #tpu.memory_space<vmem>>, vector<16xi32>,
        %get3A_558 = vector.shape_cast %get3A_557 : vector<16xi32> to vector<16xi32>
        %add3A_559 = arith.addi %get3A_555, %get3A_558 : vector<16xi32>
        %swap3A_560 = arith.index_cast %multiple_of3A_552 : i32 to index
        %swap3A_561 = tpu.vector_load %arg6[%swap3A_560] {strides = array<i32>} : memref<1600xi32, #tpu.memory_space<vmem>>, vector<16xi32>,
        %swap3A_562 = vector.shape_cast %swap3A_561 : vector<16xi32> to vector<16xi32>
        %swap3A_563 = vector.shape_cast %add3A_559 : vector<16xi32> to vector<16xi32>
        tpu.vector_store %arg6[%swap3A_560], %swap3A_563 {strides = array<i32>} : memref<1600xi32, #tpu.memory_space<vmem>>, vector<16xi32>,
        %scan3A_564 = arith.constant 4 : i32
        %scan3A_565 = arith.addi %scan3A_485, %scan3A_564 : i32
        %mul3A_566 = arith.constant 1 : i32
        %mul3A_567 = arith.muli %scan3A_565, %mul3A_566 : i32
        %add3A_568 = arith.constant 0 : i32
        %add3A_569 = arith.addi %add3A_568, %mul3A_567 : i32
        %mul3A_570 = arith.constant 16 : i32
        %mul3A_571 = arith.muli %add3A_569, %mul3A_570 : i32
        %multiple_of3A_572 = tpu.assume_multiple %mul3A_571, 16 : i32
        %get3A_573 = arith.index_cast %multiple_of3A_572 : i32 to index
        %get3A_574 = tpu.vector_load %arg6[%get3A_573] {strides = array<i32>} : memref<1600xi32, #tpu.memory_space<vmem>>, vector<16xi32>,
        %get3A_575 = vector.shape_cast %get3A_574 : vector<16xi32> to vector<16xi32>
        %get3A_576 = arith.index_cast %multiple_of3A_572 : i32 to index
        %get3A_577 = tpu.vector_load %arg10[%get3A_576] {strides = array<i32>} : memref<1600xi32, #tpu.memory_space<vmem>>, vector<16xi32>,
        %get3A_578 = vector.shape_cast %get3A_577 : vector<16xi32> to vector<16xi32>
        %add3A_579 = arith.addi %get3A_575, %get3A_578 : vector<16xi32>
        %swap3A_580 = arith.index_cast %multiple_of3A_572 : i32 to index
        %swap3A_581 = tpu.vector_load %arg6[%swap3A_580] {strides = array<i32>} : memref<1600xi32, #tpu.memory_space<vmem>>, vector<16xi32>,
        %swap3A_582 = vector.shape_cast %swap3A_581 : vector<16xi32> to vector<16xi32>
        %swap3A_583 = vector.shape_cast %add3A_579 : vector<16xi32> to vector<16xi32>
        tpu.vector_store %arg6[%swap3A_580], %swap3A_583 {strides = array<i32>} : memref<1600xi32, #tpu.memory_space<vmem>>, vector<16xi32>,
        %scan3A_584 = arith.constant 5 : i32
        %scan3A_585 = arith.addi %scan3A_485, %scan3A_584 : i32
        %mul3A_586 = arith.constant 1 : i32
        %mul3A_587 = arith.muli %scan3A_585, %mul3A_586 : i32
        %add3A_588 = arith.constant 0 : i32
        %add3A_589 = arith.addi %add3A_588, %mul3A_587 : i32
        %mul3A_590 = arith.constant 16 : i32
        %mul3A_591 = arith.muli %add3A_589, %mul3A_590 : i32
        %multiple_of3A_592 = tpu.assume_multiple %mul3A_591, 16 : i32
        %get3A_593 = arith.index_cast %multiple_of3A_592 : i32 to index
        %get3A_594 = tpu.vector_load %arg6[%get3A_593] {strides = array<i32>} : memref<1600xi32, #tpu.memory_space<vmem>>, vector<16xi32>,
        %get3A_595 = vector.shape_cast %get3A_594 : vector<16xi32> to vector<16xi32>
        %get3A_596 = arith.index_cast %multiple_of3A_592 : i32 to index
        %get3A_597 = tpu.vector_load %arg10[%get3A_596] {strides = array<i32>} : memref<1600xi32, #tpu.memory_space<vmem>>, vector<16xi32>,
        %get3A_598 = vector.shape_cast %get3A_597 : vector<16xi32> to vector<16xi32>
        %add3A_599 = arith.addi %get3A_595, %get3A_598 : vector<16xi32>
        %swap3A_600 = arith.index_cast %multiple_of3A_592 : i32 to index
        %swap3A_601 = tpu.vector_load %arg6[%swap3A_600] {strides = array<i32>} : memref<1600xi32, #tpu.memory_space<vmem>>, vector<16xi32>,
        %swap3A_602 = vector.shape_cast %swap3A_601 : vector<16xi32> to vector<16xi32>
        %swap3A_603 = vector.shape_cast %add3A_599 : vector<16xi32> to vector<16xi32>
        tpu.vector_store %arg6[%swap3A_600], %swap3A_603 {strides = array<i32>} : memref<1600xi32, #tpu.memory_space<vmem>>, vector<16xi32>,
        %scan3A_604 = arith.constant 6 : i32
        %scan3A_605 = arith.addi %scan3A_485, %scan3A_604 : i32
        %mul3A_606 = arith.constant 1 : i32
        %mul3A_607 = arith.muli %scan3A_605, %mul3A_606 : i32
        %add3A_608 = arith.constant 0 : i32
        %add3A_609 = arith.addi %add3A_608, %mul3A_607 : i32
        %mul3A_610 = arith.constant 16 : i32
        %mul3A_611 = arith.muli %add3A_609, %mul3A_610 : i32
        %multiple_of3A_612 = tpu.assume_multiple %mul3A_611, 16 : i32
        %get3A_613 = arith.index_cast %multiple_of3A_612 : i32 to index
        %get3A_614 = tpu.vector_load %arg6[%get3A_613] {strides = array<i32>} : memref<1600xi32, #tpu.memory_space<vmem>>, vector<16xi32>,
        %get3A_615 = vector.shape_cast %get3A_614 : vector<16xi32> to vector<16xi32>
        %get3A_616 = arith.index_cast %multiple_of3A_612 : i32 to index
        %get3A_617 = tpu.vector_load %arg10[%get3A_616] {strides = array<i32>} : memref<1600xi32, #tpu.memory_space<vmem>>, vector<16xi32>,
        %get3A_618 = vector.shape_cast %get3A_617 : vector<16xi32> to vector<16xi32>
        %add3A_619 = arith.addi %get3A_615, %get3A_618 : vector<16xi32>
        %swap3A_620 = arith.index_cast %multiple_of3A_612 : i32 to index
        %swap3A_621 = tpu.vector_load %arg6[%swap3A_620] {strides = array<i32>} : memref<1600xi32, #tpu.memory_space<vmem>>, vector<16xi32>,
        %swap3A_622 = vector.shape_cast %swap3A_621 : vector<16xi32> to vector<16xi32>
        %swap3A_623 = vector.shape_cast %add3A_619 : vector<16xi32> to vector<16xi32>
        tpu.vector_store %arg6[%swap3A_620], %swap3A_623 {strides = array<i32>} : memref<1600xi32, #tpu.memory_space<vmem>>, vector<16xi32>,
        %scan3A_624 = arith.constant 7 : i32
        %scan3A_625 = arith.addi %scan3A_485, %scan3A_624 : i32
        %mul3A_626 = arith.constant 1 : i32
        %mul3A_627 = arith.muli %scan3A_625, %mul3A_626 : i32
        %add3A_628 = arith.constant 0 : i32
        %add3A_629 = arith.addi %add3A_628, %mul3A_627 : i32
        %mul3A_630 = arith.constant 16 : i32
        %mul3A_631 = arith.muli %add3A_629, %mul3A_630 : i32
        %multiple_of3A_632 = tpu.assume_multiple %mul3A_631, 16 : i32
        %get3A_633 = arith.index_cast %multiple_of3A_632 : i32 to index
        %get3A_634 = tpu.vector_load %arg6[%get3A_633] {strides = array<i32>} : memref<1600xi32, #tpu.memory_space<vmem>>, vector<16xi32>,
        %get3A_635 = vector.shape_cast %get3A_634 : vector<16xi32> to vector<16xi32>
        %get3A_636 = arith.index_cast %multiple_of3A_632 : i32 to index
        %get3A_637 = tpu.vector_load %arg10[%get3A_636] {strides = array<i32>} : memref<1600xi32, #tpu.memory_space<vmem>>, vector<16xi32>,
        %get3A_638 = vector.shape_cast %get3A_637 : vector<16xi32> to vector<16xi32>
        %add3A_639 = arith.addi %get3A_635, %get3A_638 : vector<16xi32>
        %swap3A_640 = arith.index_cast %multiple_of3A_632 : i32 to index
        %swap3A_641 = tpu.vector_load %arg6[%swap3A_640] {strides = array<i32>} : memref<1600xi32, #tpu.memory_space<vmem>>, vector<16xi32>,
        %swap3A_642 = vector.shape_cast %swap3A_641 : vector<16xi32> to vector<16xi32>
        %swap3A_643 = vector.shape_cast %add3A_639 : vector<16xi32> to vector<16xi32>
        tpu.vector_store %arg6[%swap3A_640], %swap3A_643 {strides = array<i32>} : memref<1600xi32, #tpu.memory_space<vmem>>, vector<16xi32>,
      }
      %scan3A_54 = arith.constant 96 : i32
      %scan3A_55 = arith.addi %scan3A_50, %scan3A_54 : i32
      %mul3A_56 = arith.constant 1 : i32
      %mul3A_57 = arith.muli %scan3A_55, %mul3A_56 : i32
      %add3A_58 = arith.constant 0 : i32
      %add3A_59 = arith.addi %add3A_58, %mul3A_57 : i32
      %mul3A_60 = arith.constant 16 : i32
      %mul3A_61 = arith.muli %add3A_59, %mul3A_60 : i32
      %multiple_of3A = tpu.assume_multiple %mul3A_61, 16 : i32
      %get3A = arith.index_cast %multiple_of3A : i32 to index
      %get3A_62 = tpu.vector_load %arg6[%get3A] {strides = array<i32>} : memref<1600xi32, #tpu.memory_space<vmem>>, vector<16xi32>,
      %get3A_63 = vector.shape_cast %get3A_62 : vector<16xi32> to vector<16xi32>
      %get3A_64 = arith.index_cast %multiple_of3A : i32 to index
      %get3A_65 = tpu.vector_load %arg10[%get3A_64] {strides = array<i32>} : memref<1600xi32, #tpu.memory_space<vmem>>, vector<16xi32>,
      %get3A_66 = vector.shape_cast %get3A_65 : vector<16xi32> to vector<16xi32>
      %add3A_67 = arith.addi %get3A_63, %get3A_66 : vector<16xi32>
      %swap3A = arith.index_cast %multiple_of3A : i32 to index
      %swap3A_68 = tpu.vector_load %arg6[%swap3A] {strides = array<i32>} : memref<1600xi32, #tpu.memory_space<vmem>>, vector<16xi32>,
      %swap3A_69 = vector.shape_cast %swap3A_68 : vector<16xi32> to vector<16xi32>
      %swap3A_70 = vector.shape_cast %add3A_67 : vector<16xi32> to vector<16xi32>
      tpu.vector_store %arg6[%swap3A], %swap3A_70 {strides = array<i32>} : memref<1600xi32, #tpu.memory_space<vmem>>, vector<16xi32>,
      %scan3A_71 = arith.constant 97 : i32
      %scan3A_72 = arith.addi %scan3A_50, %scan3A_71 : i32
      %mul3A_73 = arith.constant 1 : i32
      %mul3A_74 = arith.muli %scan3A_72, %mul3A_73 : i32
      %add3A_75 = arith.constant 0 : i32
      %add3A_76 = arith.addi %add3A_75, %mul3A_74 : i32
      %mul3A_77 = arith.constant 16 : i32
      %mul3A_78 = arith.muli %add3A_76, %mul3A_77 : i32
      %multiple_of3A_79 = tpu.assume_multiple %mul3A_78, 16 : i32
      %get3A_80 = arith.index_cast %multiple_of3A_79 : i32 to index
      %get3A_81 = tpu.vector_load %arg6[%get3A_80] {strides = array<i32>} : memref<1600xi32, #tpu.memory_space<vmem>>, vector<16xi32>,
      %get3A_82 = vector.shape_cast %get3A_81 : vector<16xi32> to vector<16xi32>
      %get3A_83 = arith.index_cast %multiple_of3A_79 : i32 to index
      %get3A_84 = tpu.vector_load %arg10[%get3A_83] {strides = array<i32>} : memref<1600xi32, #tpu.memory_space<vmem>>, vector<16xi32>,
      %get3A_85 = vector.shape_cast %get3A_84 : vector<16xi32> to vector<16xi32>
      %add3A_86 = arith.addi %get3A_82, %get3A_85 : vector<16xi32>
      %swap3A_87 = arith.index_cast %multiple_of3A_79 : i32 to index
      %swap3A_88 = tpu.vector_load %arg6[%swap3A_87] {strides = array<i32>} : memref<1600xi32, #tpu.memory_space<vmem>>, vector<16xi32>,
      %swap3A_89 = vector.shape_cast %swap3A_88 : vector<16xi32> to vector<16xi32>
      %swap3A_90 = vector.shape_cast %add3A_86 : vector<16xi32> to vector<16xi32>
      tpu.vector_store %arg6[%swap3A_87], %swap3A_90 {strides = array<i32>} : memref<1600xi32, #tpu.memory_space<vmem>>, vector<16xi32>,
      %scan3A_91 = arith.constant 98 : i32
      %scan3A_92 = arith.addi %scan3A_50, %scan3A_91 : i32
      %mul3A_93 = arith.constant 1 : i32
      %mul3A_94 = arith.muli %scan3A_92, %mul3A_93 : i32
      %add3A_95 = arith.constant 0 : i32
      %add3A_96 = arith.addi %add3A_95, %mul3A_94 : i32
      %mul3A_97 = arith.constant 16 : i32
      %mul3A_98 = arith.muli %add3A_96, %mul3A_97 : i32
      %multiple_of3A_99 = tpu.assume_multiple %mul3A_98, 16 : i32
      %get3A_100 = arith.index_cast %multiple_of3A_99 : i32 to index
      %get3A_101 = tpu.vector_load %arg6[%get3A_100] {strides = array<i32>} : memref<1600xi32, #tpu.memory_space<vmem>>, vector<16xi32>,
      %get3A_102 = vector.shape_cast %get3A_101 : vector<16xi32> to vector<16xi32>
      %get3A_103 = arith.index_cast %multiple_of3A_99 : i32 to index
      %get3A_104 = tpu.vector_load %arg10[%get3A_103] {strides = array<i32>} : memref<1600xi32, #tpu.memory_space<vmem>>, vector<16xi32>,
      %get3A_105 = vector.shape_cast %get3A_104 : vector<16xi32> to vector<16xi32>
      %add3A_106 = arith.addi %get3A_102, %get3A_105 : vector<16xi32>
      %swap3A_107 = arith.index_cast %multiple_of3A_99 : i32 to index
      %swap3A_108 = tpu.vector_load %arg6[%swap3A_107] {strides = array<i32>} : memref<1600xi32, #tpu.memory_space<vmem>>, vector<16xi32>,
      %swap3A_109 = vector.shape_cast %swap3A_108 : vector<16xi32> to vector<16xi32>
      %swap3A_110 = vector.shape_cast %add3A_106 : vector<16xi32> to vector<16xi32>
      tpu.vector_store %arg6[%swap3A_107], %swap3A_110 {strides = array<i32>} : memref<1600xi32, #tpu.memory_space<vmem>>, vector<16xi32>,
      %scan3A_111 = arith.constant 99 : i32
      %scan3A_112 = arith.addi %scan3A_50, %scan3A_111 : i32
      %mul3A_113 = arith.constant 1 : i32
      %mul3A_114 = arith.muli %scan3A_112, %mul3A_113 : i32
      %add3A_115 = arith.constant 0 : i32
      %add3A_116 = arith.addi %add3A_115, %mul3A_114 : i32
      %mul3A_117 = arith.constant 16 : i32
      %mul3A_118 = arith.muli %add3A_116, %mul3A_117 : i32
      %multiple_of3A_119 = tpu.assume_multiple %mul3A_118, 16 : i32
      %get3A_120 = arith.index_cast %multiple_of3A_119 : i32 to index
      %get3A_121 = tpu.vector_load %arg6[%get3A_120] {strides = array<i32>} : memref<1600xi32, #tpu.memory_space<vmem>>, vector<16xi32>,
      %get3A_122 = vector.shape_cast %get3A_121 : vector<16xi32> to vector<16xi32>
      %get3A_123 = arith.index_cast %multiple_of3A_119 : i32 to index
      %get3A_124 = tpu.vector_load %arg10[%get3A_123] {strides = array<i32>} : memref<1600xi32, #tpu.memory_space<vmem>>, vector<16xi32>,
      %get3A_125 = vector.shape_cast %get3A_124 : vector<16xi32> to vector<16xi32>
      %add3A_126 = arith.addi %get3A_122, %get3A_125 : vector<16xi32>
      %swap3A_127 = arith.index_cast %multiple_of3A_119 : i32 to index
      %swap3A_128 = tpu.vector_load %arg6[%swap3A_127] {strides = array<i32>} : memref<1600xi32, #tpu.memory_space<vmem>>, vector<16xi32>,
      %swap3A_129 = vector.shape_cast %swap3A_128 : vector<16xi32> to vector<16xi32>
      %swap3A_130 = vector.shape_cast %add3A_126 : vector<16xi32> to vector<16xi32>
      tpu.vector_store %arg6[%swap3A_127], %swap3A_130 {strides = array<i32>} : memref<1600xi32, #tpu.memory_space<vmem>>, vector<16xi32>,
      %scan3A_131 = arith.constant 100 : i32
      %ge3A = arith.constant 2 : i32
      %ge3A_132 = arith.cmpi sge, %add3A_38, %ge3A : i32
      %convert_element_type3A_133 = arith.extui %ge3A_132 : i1 to i32
      %cond3A_134 = arith.constant 0 : i32
      %cond3A_135 = arith.cmpi ne, %convert_element_type3A_133, %cond3A_134 : i32
      scf.if %cond3A_135 {
        %mul3A_485 = arith.constant 1600 : i32
        %mul3A_486 = arith.muli %add3A_38, %mul3A_485 : i32
        %add3A_487 = arith.addi %mul3A_2, %mul3A_486 : i32
        %dma_wait3A_488 = arith.constant 0 : i32
        %dma_wait3A_489 = tpu.memref_slice %arg5[%add3A_487, %dma_wait3A_488] : memref<1638400x16xf32, #tpu.memory_space<hbm>> -> memref<1600x16xf32, #tpu.memory_space<hbm>>
        %dma_wait3A_490 = arith.constant 0 : i32
        %dma_wait3A_491 = tpu.memref_slice %arg5[%add3A_487, %dma_wait3A_490] : memref<1638400x16xf32, #tpu.memory_space<hbm>> -> memref<1600x16xf32, #tpu.memory_space<hbm>>
        tpu.wait_dma2 semaphore(%arg18 : memref<!tpu.dma_semaphore, #tpu.memory_space<semaphore_mem>>) src(%arg11 : memref<1600x16xf32, #tpu.memory_space<vmem>>) dst(%dma_wait3A_491 : memref<1600x16xf32, #tpu.memory_space<hbm>>)
      } else {
      }
      %dma_start3A_136 = arith.constant 0 : i32
      %dma_start3A_137 = arith.constant 0 : i32
      %dma_start3A_138 = tpu.memref_slice %arg13[%dma_start3A_136, %dma_start3A_137] : memref<1600x16xf32, #tpu.memory_space<vmem_shared>> -> memref<1600x16xf32, #tpu.memory_space<vmem_shared>>
      tpu.enqueue_indirect_dma source(%dma_start3A_138 : memref<1600x16xf32, #tpu.memory_space<vmem_shared>>) target(%arg11 : memref<1600x16xf32, #tpu.memory_space<vmem>>) offsets(%arg6 : memref<1600xi32, #tpu.memory_space<vmem>>) semaphore(%arg16 : memref<!tpu.dma_semaphore, #tpu.memory_space<semaphore_mem>>)
      %gt3A = arith.constant 0 : i32
      %gt3A_139 = arith.cmpi sgt, %add3A_38, %gt3A : i32
      %convert_element_type3A_140 = arith.extui %gt3A_139 : i1 to i32
      %cond3A_141 = arith.constant 0 : i32
      %cond3A_142 = arith.cmpi ne, %convert_element_type3A_140, %cond3A_141 : i32
      scf.if %cond3A_142 {
        %dma_wait3A_485 = arith.constant 0 : i32
        %dma_wait3A_486 = arith.constant 0 : i32
        %dma_wait3A_487 = tpu.memref_slice %arg13[%dma_wait3A_485, %dma_wait3A_486] : memref<1600x16xf32, #tpu.memory_space<vmem_shared>> -> memref<1600x16xf32, #tpu.memory_space<vmem_shared>>
        tpu.wait_indirect_dma semaphore(%arg17 : memref<!tpu.dma_semaphore, #tpu.memory_space<semaphore_mem>>) src(%dma_wait3A_487 : memref<1600x16xf32, #tpu.memory_space<vmem_shared>>) dst(%arg12 : memref<1600x16xf32, #tpu.memory_space<vmem>>)
        %sub3A = arith.constant 1 : i32
        %sub3A_488 = arith.subi %add3A_38, %sub3A : i32
        %mul3A_489 = arith.constant 1600 : i32
        %mul3A_490 = arith.muli %sub3A_488, %mul3A_489 : i32
        %add3A_491 = arith.addi %mul3A_2, %mul3A_490 : i32
        %dma_start3A_492 = arith.constant 0 : i32
        %dma_start3A_493 = tpu.memref_slice %arg5[%add3A_491, %dma_start3A_492] : memref<1638400x16xf32, #tpu.memory_space<hbm>> -> memref<1600x16xf32, #tpu.memory_space<hbm>>
        %dma_start3A_494 = arith.constant 0 : i32
        %dma_start3A_495 = tpu.memref_slice %arg5[%add3A_491, %dma_start3A_494] : memref<1638400x16xf32, #tpu.memory_space<hbm>> -> memref<1600x16xf32, #tpu.memory_space<hbm>>
        tpu.enqueue_dma source(%arg12 : memref<1600x16xf32, #tpu.memory_space<vmem>>) target(%dma_start3A_495 : memref<1600x16xf32, #tpu.memory_space<hbm>>) target_semaphore(%arg19 : memref<!tpu.dma_semaphore, #tpu.memory_space<semaphore_mem>>)
      } else {
      }
      %mul3A_143 = arith.constant 4 : i32
      %mul3A_144 = arith.muli %add3A_34, %mul3A_143 : i32
      %add3A_145 = arith.constant 1 : i32
      %add3A_146 = arith.addi %mul3A_144, %add3A_145 : i32
      %add3A_147 = arith.constant 1 : i32
      %add3A_148 = arith.addi %add3A_146, %add3A_147 : i32
      %lt3A_149 = arith.constant 32 : i32
      %lt3A_150 = arith.cmpi slt, %add3A_148, %lt3A_149 : i32
      %convert_element_type3A_151 = arith.extui %lt3A_150 : i1 to i32
      %cond3A_152 = arith.constant 0 : i32
      %cond3A_153 = arith.cmpi ne, %convert_element_type3A_151, %cond3A_152 : i32
      scf.if %cond3A_153 {
        %add3A_485 = arith.constant 1 : i32
        %add3A_486 = arith.addi %add3A_146, %add3A_485 : i32
        %mul3A_487 = arith.constant 1600 : i32
        %mul3A_488 = arith.muli %add3A_486, %mul3A_487 : i32
        %add3A_489 = arith.addi %mul3A_2, %mul3A_488 : i32
        %dma_start3A_490 = tpu.memref_slice %arg2[%add3A_489] : memref<1638400xi32, #tpu.memory_space<hbm>> -> memref<1600xi32, #tpu.memory_space<hbm>>
        %dma_start3A_491 = tpu.memref_slice %arg2[%add3A_489] : memref<1638400xi32, #tpu.memory_space<hbm>> -> memref<1600xi32, #tpu.memory_space<hbm>>
        tpu.enqueue_dma source(%dma_start3A_491 : memref<1600xi32, #tpu.memory_space<hbm>>) target(%arg8 : memref<1600xi32, #tpu.memory_space<vmem>>) target_semaphore(%arg14 : memref<!tpu.dma_semaphore, #tpu.memory_space<semaphore_mem>>)
      } else {
      }
      %mul3A_154 = arith.constant 1600 : i32
      %mul3A_155 = arith.muli %add3A_146, %mul3A_154 : i32
      %add3A_156 = arith.addi %mul3A_2, %mul3A_155 : i32
      %dma_wait3A_157 = tpu.memref_slice %arg2[%add3A_156] : memref<1638400xi32, #tpu.memory_space<hbm>> -> memref<1600xi32, #tpu.memory_space<hbm>>
      %dma_wait3A_158 = tpu.memref_slice %arg2[%add3A_156] : memref<1638400xi32, #tpu.memory_space<hbm>> -> memref<1600xi32, #tpu.memory_space<hbm>>
      tpu.wait_dma2 semaphore(%arg15 : memref<!tpu.dma_semaphore, #tpu.memory_space<semaphore_mem>>) src(%dma_wait3A_158 : memref<1600xi32, #tpu.memory_space<hbm>>) dst(%arg7 : memref<1600xi32, #tpu.memory_space<vmem>>)
      %scan3A_159 = arith.constant 0 : i32
      %scan3A_160 = arith.constant 96 : i32
      %scan3A_161 = arith.addi %scan3A_159, %scan3A_160 : i32
      %scan3A_162 = arith.constant 8 : i32
      scf.for %scan3A_485 = %scan3A_159 to %scan3A_161 step %scan3A_162  : i32 {
        %mul3A_486 = arith.constant 1 : i32
        %mul3A_487 = arith.muli %scan3A_485, %mul3A_486 : i32
        %add3A_488 = arith.constant 0 : i32
        %add3A_489 = arith.addi %add3A_488, %mul3A_487 : i32
        %mul3A_490 = arith.constant 16 : i32
        %mul3A_491 = arith.muli %add3A_489, %mul3A_490 : i32
        %multiple_of3A_492 = tpu.assume_multiple %mul3A_491, 16 : i32
        %get3A_493 = arith.index_cast %multiple_of3A_492 : i32 to index
        %get3A_494 = tpu.vector_load %arg7[%get3A_493] {strides = array<i32>} : memref<1600xi32, #tpu.memory_space<vmem>>, vector<16xi32>,
        %get3A_495 = vector.shape_cast %get3A_494 : vector<16xi32> to vector<16xi32>
        %get3A_496 = arith.index_cast %multiple_of3A_492 : i32 to index
        %get3A_497 = tpu.vector_load %arg10[%get3A_496] {strides = array<i32>} : memref<1600xi32, #tpu.memory_space<vmem>>, vector<16xi32>,
        %get3A_498 = vector.shape_cast %get3A_497 : vector<16xi32> to vector<16xi32>
        %add3A_499 = arith.addi %get3A_495, %get3A_498 : vector<16xi32>
        %swap3A_500 = arith.index_cast %multiple_of3A_492 : i32 to index
        %swap3A_501 = tpu.vector_load %arg7[%swap3A_500] {strides = array<i32>} : memref<1600xi32, #tpu.memory_space<vmem>>, vector<16xi32>,
        %swap3A_502 = vector.shape_cast %swap3A_501 : vector<16xi32> to vector<16xi32>
        %swap3A_503 = vector.shape_cast %add3A_499 : vector<16xi32> to vector<16xi32>
        tpu.vector_store %arg7[%swap3A_500], %swap3A_503 {strides = array<i32>} : memref<1600xi32, #tpu.memory_space<vmem>>, vector<16xi32>,
        %scan3A_504 = arith.constant 1 : i32
        %scan3A_505 = arith.addi %scan3A_485, %scan3A_504 : i32
        %mul3A_506 = arith.constant 1 : i32
        %mul3A_507 = arith.muli %scan3A_505, %mul3A_506 : i32
        %add3A_508 = arith.constant 0 : i32
        %add3A_509 = arith.addi %add3A_508, %mul3A_507 : i32
        %mul3A_510 = arith.constant 16 : i32
        %mul3A_511 = arith.muli %add3A_509, %mul3A_510 : i32
        %multiple_of3A_512 = tpu.assume_multiple %mul3A_511, 16 : i32
        %get3A_513 = arith.index_cast %multiple_of3A_512 : i32 to index
        %get3A_514 = tpu.vector_load %arg7[%get3A_513] {strides = array<i32>} : memref<1600xi32, #tpu.memory_space<vmem>>, vector<16xi32>,
        %get3A_515 = vector.shape_cast %get3A_514 : vector<16xi32> to vector<16xi32>
        %get3A_516 = arith.index_cast %multiple_of3A_512 : i32 to index
        %get3A_517 = tpu.vector_load %arg10[%get3A_516] {strides = array<i32>} : memref<1600xi32, #tpu.memory_space<vmem>>, vector<16xi32>,
        %get3A_518 = vector.shape_cast %get3A_517 : vector<16xi32> to vector<16xi32>
        %add3A_519 = arith.addi %get3A_515, %get3A_518 : vector<16xi32>
        %swap3A_520 = arith.index_cast %multiple_of3A_512 : i32 to index
        %swap3A_521 = tpu.vector_load %arg7[%swap3A_520] {strides = array<i32>} : memref<1600xi32, #tpu.memory_space<vmem>>, vector<16xi32>,
        %swap3A_522 = vector.shape_cast %swap3A_521 : vector<16xi32> to vector<16xi32>
        %swap3A_523 = vector.shape_cast %add3A_519 : vector<16xi32> to vector<16xi32>
        tpu.vector_store %arg7[%swap3A_520], %swap3A_523 {strides = array<i32>} : memref<1600xi32, #tpu.memory_space<vmem>>, vector<16xi32>,
        %scan3A_524 = arith.constant 2 : i32
        %scan3A_525 = arith.addi %scan3A_485, %scan3A_524 : i32
        %mul3A_526 = arith.constant 1 : i32
        %mul3A_527 = arith.muli %scan3A_525, %mul3A_526 : i32
        %add3A_528 = arith.constant 0 : i32
        %add3A_529 = arith.addi %add3A_528, %mul3A_527 : i32
        %mul3A_530 = arith.constant 16 : i32
        %mul3A_531 = arith.muli %add3A_529, %mul3A_530 : i32
        %multiple_of3A_532 = tpu.assume_multiple %mul3A_531, 16 : i32
        %get3A_533 = arith.index_cast %multiple_of3A_532 : i32 to index
        %get3A_534 = tpu.vector_load %arg7[%get3A_533] {strides = array<i32>} : memref<1600xi32, #tpu.memory_space<vmem>>, vector<16xi32>,
        %get3A_535 = vector.shape_cast %get3A_534 : vector<16xi32> to vector<16xi32>
        %get3A_536 = arith.index_cast %multiple_of3A_532 : i32 to index
        %get3A_537 = tpu.vector_load %arg10[%get3A_536] {strides = array<i32>} : memref<1600xi32, #tpu.memory_space<vmem>>, vector<16xi32>,
        %get3A_538 = vector.shape_cast %get3A_537 : vector<16xi32> to vector<16xi32>
        %add3A_539 = arith.addi %get3A_535, %get3A_538 : vector<16xi32>
        %swap3A_540 = arith.index_cast %multiple_of3A_532 : i32 to index
        %swap3A_541 = tpu.vector_load %arg7[%swap3A_540] {strides = array<i32>} : memref<1600xi32, #tpu.memory_space<vmem>>, vector<16xi32>,
        %swap3A_542 = vector.shape_cast %swap3A_541 : vector<16xi32> to vector<16xi32>
        %swap3A_543 = vector.shape_cast %add3A_539 : vector<16xi32> to vector<16xi32>
        tpu.vector_store %arg7[%swap3A_540], %swap3A_543 {strides = array<i32>} : memref<1600xi32, #tpu.memory_space<vmem>>, vector<16xi32>,
        %scan3A_544 = arith.constant 3 : i32
        %scan3A_545 = arith.addi %scan3A_485, %scan3A_544 : i32
        %mul3A_546 = arith.constant 1 : i32
        %mul3A_547 = arith.muli %scan3A_545, %mul3A_546 : i32
        %add3A_548 = arith.constant 0 : i32
        %add3A_549 = arith.addi %add3A_548, %mul3A_547 : i32
        %mul3A_550 = arith.constant 16 : i32
        %mul3A_551 = arith.muli %add3A_549, %mul3A_550 : i32
        %multiple_of3A_552 = tpu.assume_multiple %mul3A_551, 16 : i32
        %get3A_553 = arith.index_cast %multiple_of3A_552 : i32 to index
        %get3A_554 = tpu.vector_load %arg7[%get3A_553] {strides = array<i32>} : memref<1600xi32, #tpu.memory_space<vmem>>, vector<16xi32>,
        %get3A_555 = vector.shape_cast %get3A_554 : vector<16xi32> to vector<16xi32>
        %get3A_556 = arith.index_cast %multiple_of3A_552 : i32 to index
        %get3A_557 = tpu.vector_load %arg10[%get3A_556] {strides = array<i32>} : memref<1600xi32, #tpu.memory_space<vmem>>, vector<16xi32>,
        %get3A_558 = vector.shape_cast %get3A_557 : vector<16xi32> to vector<16xi32>
        %add3A_559 = arith.addi %get3A_555, %get3A_558 : vector<16xi32>
        %swap3A_560 = arith.index_cast %multiple_of3A_552 : i32 to index
        %swap3A_561 = tpu.vector_load %arg7[%swap3A_560] {strides = array<i32>} : memref<1600xi32, #tpu.memory_space<vmem>>, vector<16xi32>,
        %swap3A_562 = vector.shape_cast %swap3A_561 : vector<16xi32> to vector<16xi32>
        %swap3A_563 = vector.shape_cast %add3A_559 : vector<16xi32> to vector<16xi32>
        tpu.vector_store %arg7[%swap3A_560], %swap3A_563 {strides = array<i32>} : memref<1600xi32, #tpu.memory_space<vmem>>, vector<16xi32>,
        %scan3A_564 = arith.constant 4 : i32
        %scan3A_565 = arith.addi %scan3A_485, %scan3A_564 : i32
        %mul3A_566 = arith.constant 1 : i32
        %mul3A_567 = arith.muli %scan3A_565, %mul3A_566 : i32
        %add3A_568 = arith.constant 0 : i32
        %add3A_569 = arith.addi %add3A_568, %mul3A_567 : i32
        %mul3A_570 = arith.constant 16 : i32
        %mul3A_571 = arith.muli %add3A_569, %mul3A_570 : i32
        %multiple_of3A_572 = tpu.assume_multiple %mul3A_571, 16 : i32
        %get3A_573 = arith.index_cast %multiple_of3A_572 : i32 to index
        %get3A_574 = tpu.vector_load %arg7[%get3A_573] {strides = array<i32>} : memref<1600xi32, #tpu.memory_space<vmem>>, vector<16xi32>,
        %get3A_575 = vector.shape_cast %get3A_574 : vector<16xi32> to vector<16xi32>
        %get3A_576 = arith.index_cast %multiple_of3A_572 : i32 to index
        %get3A_577 = tpu.vector_load %arg10[%get3A_576] {strides = array<i32>} : memref<1600xi32, #tpu.memory_space<vmem>>, vector<16xi32>,
        %get3A_578 = vector.shape_cast %get3A_577 : vector<16xi32> to vector<16xi32>
        %add3A_579 = arith.addi %get3A_575, %get3A_578 : vector<16xi32>
        %swap3A_580 = arith.index_cast %multiple_of3A_572 : i32 to index
        %swap3A_581 = tpu.vector_load %arg7[%swap3A_580] {strides = array<i32>} : memref<1600xi32, #tpu.memory_space<vmem>>, vector<16xi32>,
        %swap3A_582 = vector.shape_cast %swap3A_581 : vector<16xi32> to vector<16xi32>
        %swap3A_583 = vector.shape_cast %add3A_579 : vector<16xi32> to vector<16xi32>
        tpu.vector_store %arg7[%swap3A_580], %swap3A_583 {strides = array<i32>} : memref<1600xi32, #tpu.memory_space<vmem>>, vector<16xi32>,
        %scan3A_584 = arith.constant 5 : i32
        %scan3A_585 = arith.addi %scan3A_485, %scan3A_584 : i32
        %mul3A_586 = arith.constant 1 : i32
        %mul3A_587 = arith.muli %scan3A_585, %mul3A_586 : i32
        %add3A_588 = arith.constant 0 : i32
        %add3A_589 = arith.addi %add3A_588, %mul3A_587 : i32
        %mul3A_590 = arith.constant 16 : i32
        %mul3A_591 = arith.muli %add3A_589, %mul3A_590 : i32
        %multiple_of3A_592 = tpu.assume_multiple %mul3A_591, 16 : i32
        %get3A_593 = arith.index_cast %multiple_of3A_592 : i32 to index
        %get3A_594 = tpu.vector_load %arg7[%get3A_593] {strides = array<i32>} : memref<1600xi32, #tpu.memory_space<vmem>>, vector<16xi32>,
        %get3A_595 = vector.shape_cast %get3A_594 : vector<16xi32> to vector<16xi32>
        %get3A_596 = arith.index_cast %multiple_of3A_592 : i32 to index
        %get3A_597 = tpu.vector_load %arg10[%get3A_596] {strides = array<i32>} : memref<1600xi32, #tpu.memory_space<vmem>>, vector<16xi32>,
        %get3A_598 = vector.shape_cast %get3A_597 : vector<16xi32> to vector<16xi32>
        %add3A_599 = arith.addi %get3A_595, %get3A_598 : vector<16xi32>
        %swap3A_600 = arith.index_cast %multiple_of3A_592 : i32 to index
        %swap3A_601 = tpu.vector_load %arg7[%swap3A_600] {strides = array<i32>} : memref<1600xi32, #tpu.memory_space<vmem>>, vector<16xi32>,
        %swap3A_602 = vector.shape_cast %swap3A_601 : vector<16xi32> to vector<16xi32>
        %swap3A_603 = vector.shape_cast %add3A_599 : vector<16xi32> to vector<16xi32>
        tpu.vector_store %arg7[%swap3A_600], %swap3A_603 {strides = array<i32>} : memref<1600xi32, #tpu.memory_space<vmem>>, vector<16xi32>,
        %scan3A_604 = arith.constant 6 : i32
        %scan3A_605 = arith.addi %scan3A_485, %scan3A_604 : i32
        %mul3A_606 = arith.constant 1 : i32
        %mul3A_607 = arith.muli %scan3A_605, %mul3A_606 : i32
        %add3A_608 = arith.constant 0 : i32
        %add3A_609 = arith.addi %add3A_608, %mul3A_607 : i32
        %mul3A_610 = arith.constant 16 : i32
        %mul3A_611 = arith.muli %add3A_609, %mul3A_610 : i32
        %multiple_of3A_612 = tpu.assume_multiple %mul3A_611, 16 : i32
        %get3A_613 = arith.index_cast %multiple_of3A_612 : i32 to index
        %get3A_614 = tpu.vector_load %arg7[%get3A_613] {strides = array<i32>} : memref<1600xi32, #tpu.memory_space<vmem>>, vector<16xi32>,
        %get3A_615 = vector.shape_cast %get3A_614 : vector<16xi32> to vector<16xi32>
        %get3A_616 = arith.index_cast %multiple_of3A_612 : i32 to index
        %get3A_617 = tpu.vector_load %arg10[%get3A_616] {strides = array<i32>} : memref<1600xi32, #tpu.memory_space<vmem>>, vector<16xi32>,
        %get3A_618 = vector.shape_cast %get3A_617 : vector<16xi32> to vector<16xi32>
        %add3A_619 = arith.addi %get3A_615, %get3A_618 : vector<16xi32>
        %swap3A_620 = arith.index_cast %multiple_of3A_612 : i32 to index
        %swap3A_621 = tpu.vector_load %arg7[%swap3A_620] {strides = array<i32>} : memref<1600xi32, #tpu.memory_space<vmem>>, vector<16xi32>,
        %swap3A_622 = vector.shape_cast %swap3A_621 : vector<16xi32> to vector<16xi32>
        %swap3A_623 = vector.shape_cast %add3A_619 : vector<16xi32> to vector<16xi32>
        tpu.vector_store %arg7[%swap3A_620], %swap3A_623 {strides = array<i32>} : memref<1600xi32, #tpu.memory_space<vmem>>, vector<16xi32>,
        %scan3A_624 = arith.constant 7 : i32
        %scan3A_625 = arith.addi %scan3A_485, %scan3A_624 : i32
        %mul3A_626 = arith.constant 1 : i32
        %mul3A_627 = arith.muli %scan3A_625, %mul3A_626 : i32
        %add3A_628 = arith.constant 0 : i32
        %add3A_629 = arith.addi %add3A_628, %mul3A_627 : i32
        %mul3A_630 = arith.constant 16 : i32
        %mul3A_631 = arith.muli %add3A_629, %mul3A_630 : i32
        %multiple_of3A_632 = tpu.assume_multiple %mul3A_631, 16 : i32
        %get3A_633 = arith.index_cast %multiple_of3A_632 : i32 to index
        %get3A_634 = tpu.vector_load %arg7[%get3A_633] {strides = array<i32>} : memref<1600xi32, #tpu.memory_space<vmem>>, vector<16xi32>,
        %get3A_635 = vector.shape_cast %get3A_634 : vector<16xi32> to vector<16xi32>
        %get3A_636 = arith.index_cast %multiple_of3A_632 : i32 to index
        %get3A_637 = tpu.vector_load %arg10[%get3A_636] {strides = array<i32>} : memref<1600xi32, #tpu.memory_space<vmem>>, vector<16xi32>,
        %get3A_638 = vector.shape_cast %get3A_637 : vector<16xi32> to vector<16xi32>
        %add3A_639 = arith.addi %get3A_635, %get3A_638 : vector<16xi32>
        %swap3A_640 = arith.index_cast %multiple_of3A_632 : i32 to index
        %swap3A_641 = tpu.vector_load %arg7[%swap3A_640] {strides = array<i32>} : memref<1600xi32, #tpu.memory_space<vmem>>, vector<16xi32>,
        %swap3A_642 = vector.shape_cast %swap3A_641 : vector<16xi32> to vector<16xi32>
        %swap3A_643 = vector.shape_cast %add3A_639 : vector<16xi32> to vector<16xi32>
        tpu.vector_store %arg7[%swap3A_640], %swap3A_643 {strides = array<i32>} : memref<1600xi32, #tpu.memory_space<vmem>>, vector<16xi32>,
      }
      %scan3A_163 = arith.constant 96 : i32
      %scan3A_164 = arith.addi %scan3A_159, %scan3A_163 : i32
      %mul3A_165 = arith.constant 1 : i32
      %mul3A_166 = arith.muli %scan3A_164, %mul3A_165 : i32
      %add3A_167 = arith.constant 0 : i32
      %add3A_168 = arith.addi %add3A_167, %mul3A_166 : i32
      %mul3A_169 = arith.constant 16 : i32
      %mul3A_170 = arith.muli %add3A_168, %mul3A_169 : i32
      %multiple_of3A_171 = tpu.assume_multiple %mul3A_170, 16 : i32
      %get3A_172 = arith.index_cast %multiple_of3A_171 : i32 to index
      %get3A_173 = tpu.vector_load %arg7[%get3A_172] {strides = array<i32>} : memref<1600xi32, #tpu.memory_space<vmem>>, vector<16xi32>,
      %get3A_174 = vector.shape_cast %get3A_173 : vector<16xi32> to vector<16xi32>
      %get3A_175 = arith.index_cast %multiple_of3A_171 : i32 to index
      %get3A_176 = tpu.vector_load %arg10[%get3A_175] {strides = array<i32>} : memref<1600xi32, #tpu.memory_space<vmem>>, vector<16xi32>,
      %get3A_177 = vector.shape_cast %get3A_176 : vector<16xi32> to vector<16xi32>
      %add3A_178 = arith.addi %get3A_174, %get3A_177 : vector<16xi32>
      %swap3A_179 = arith.index_cast %multiple_of3A_171 : i32 to index
      %swap3A_180 = tpu.vector_load %arg7[%swap3A_179] {strides = array<i32>} : memref<1600xi32, #tpu.memory_space<vmem>>, vector<16xi32>,
      %swap3A_181 = vector.shape_cast %swap3A_180 : vector<16xi32> to vector<16xi32>
      %swap3A_182 = vector.shape_cast %add3A_178 : vector<16xi32> to vector<16xi32>
      tpu.vector_store %arg7[%swap3A_179], %swap3A_182 {strides = array<i32>} : memref<1600xi32, #tpu.memory_space<vmem>>, vector<16xi32>,
      %scan3A_183 = arith.constant 97 : i32
      %scan3A_184 = arith.addi %scan3A_159, %scan3A_183 : i32
      %mul3A_185 = arith.constant 1 : i32
      %mul3A_186 = arith.muli %scan3A_184, %mul3A_185 : i32
      %add3A_187 = arith.constant 0 : i32
      %add3A_188 = arith.addi %add3A_187, %mul3A_186 : i32
      %mul3A_189 = arith.constant 16 : i32
      %mul3A_190 = arith.muli %add3A_188, %mul3A_189 : i32
      %multiple_of3A_191 = tpu.assume_multiple %mul3A_190, 16 : i32
      %get3A_192 = arith.index_cast %multiple_of3A_191 : i32 to index
      %get3A_193 = tpu.vector_load %arg7[%get3A_192] {strides = array<i32>} : memref<1600xi32, #tpu.memory_space<vmem>>, vector<16xi32>,
      %get3A_194 = vector.shape_cast %get3A_193 : vector<16xi32> to vector<16xi32>
      %get3A_195 = arith.index_cast %multiple_of3A_191 : i32 to index
      %get3A_196 = tpu.vector_load %arg10[%get3A_195] {strides = array<i32>} : memref<1600xi32, #tpu.memory_space<vmem>>, vector<16xi32>,
      %get3A_197 = vector.shape_cast %get3A_196 : vector<16xi32> to vector<16xi32>
      %add3A_198 = arith.addi %get3A_194, %get3A_197 : vector<16xi32>
      %swap3A_199 = arith.index_cast %multiple_of3A_191 : i32 to index
      %swap3A_200 = tpu.vector_load %arg7[%swap3A_199] {strides = array<i32>} : memref<1600xi32, #tpu.memory_space<vmem>>, vector<16xi32>,
      %swap3A_201 = vector.shape_cast %swap3A_200 : vector<16xi32> to vector<16xi32>
      %swap3A_202 = vector.shape_cast %add3A_198 : vector<16xi32> to vector<16xi32>
      tpu.vector_store %arg7[%swap3A_199], %swap3A_202 {strides = array<i32>} : memref<1600xi32, #tpu.memory_space<vmem>>, vector<16xi32>,
      %scan3A_203 = arith.constant 98 : i32
      %scan3A_204 = arith.addi %scan3A_159, %scan3A_203 : i32
      %mul3A_205 = arith.constant 1 : i32
      %mul3A_206 = arith.muli %scan3A_204, %mul3A_205 : i32
      %add3A_207 = arith.constant 0 : i32
      %add3A_208 = arith.addi %add3A_207, %mul3A_206 : i32
      %mul3A_209 = arith.constant 16 : i32
      %mul3A_210 = arith.muli %add3A_208, %mul3A_209 : i32
      %multiple_of3A_211 = tpu.assume_multiple %mul3A_210, 16 : i32
      %get3A_212 = arith.index_cast %multiple_of3A_211 : i32 to index
      %get3A_213 = tpu.vector_load %arg7[%get3A_212] {strides = array<i32>} : memref<1600xi32, #tpu.memory_space<vmem>>, vector<16xi32>,
      %get3A_214 = vector.shape_cast %get3A_213 : vector<16xi32> to vector<16xi32>
      %get3A_215 = arith.index_cast %multiple_of3A_211 : i32 to index
      %get3A_216 = tpu.vector_load %arg10[%get3A_215] {strides = array<i32>} : memref<1600xi32, #tpu.memory_space<vmem>>, vector<16xi32>,
      %get3A_217 = vector.shape_cast %get3A_216 : vector<16xi32> to vector<16xi32>
      %add3A_218 = arith.addi %get3A_214, %get3A_217 : vector<16xi32>
      %swap3A_219 = arith.index_cast %multiple_of3A_211 : i32 to index
      %swap3A_220 = tpu.vector_load %arg7[%swap3A_219] {strides = array<i32>} : memref<1600xi32, #tpu.memory_space<vmem>>, vector<16xi32>,
      %swap3A_221 = vector.shape_cast %swap3A_220 : vector<16xi32> to vector<16xi32>
      %swap3A_222 = vector.shape_cast %add3A_218 : vector<16xi32> to vector<16xi32>
      tpu.vector_store %arg7[%swap3A_219], %swap3A_222 {strides = array<i32>} : memref<1600xi32, #tpu.memory_space<vmem>>, vector<16xi32>,
      %scan3A_223 = arith.constant 99 : i32
      %scan3A_224 = arith.addi %scan3A_159, %scan3A_223 : i32
      %mul3A_225 = arith.constant 1 : i32
      %mul3A_226 = arith.muli %scan3A_224, %mul3A_225 : i32
      %add3A_227 = arith.constant 0 : i32
      %add3A_228 = arith.addi %add3A_227, %mul3A_226 : i32
      %mul3A_229 = arith.constant 16 : i32
      %mul3A_230 = arith.muli %add3A_228, %mul3A_229 : i32
      %multiple_of3A_231 = tpu.assume_multiple %mul3A_230, 16 : i32
      %get3A_232 = arith.index_cast %multiple_of3A_231 : i32 to index
      %get3A_233 = tpu.vector_load %arg7[%get3A_232] {strides = array<i32>} : memref<1600xi32, #tpu.memory_space<vmem>>, vector<16xi32>,
      %get3A_234 = vector.shape_cast %get3A_233 : vector<16xi32> to vector<16xi32>
      %get3A_235 = arith.index_cast %multiple_of3A_231 : i32 to index
      %get3A_236 = tpu.vector_load %arg10[%get3A_235] {strides = array<i32>} : memref<1600xi32, #tpu.memory_space<vmem>>, vector<16xi32>,
      %get3A_237 = vector.shape_cast %get3A_236 : vector<16xi32> to vector<16xi32>
      %add3A_238 = arith.addi %get3A_234, %get3A_237 : vector<16xi32>
      %swap3A_239 = arith.index_cast %multiple_of3A_231 : i32 to index
      %swap3A_240 = tpu.vector_load %arg7[%swap3A_239] {strides = array<i32>} : memref<1600xi32, #tpu.memory_space<vmem>>, vector<16xi32>,
      %swap3A_241 = vector.shape_cast %swap3A_240 : vector<16xi32> to vector<16xi32>
      %swap3A_242 = vector.shape_cast %add3A_238 : vector<16xi32> to vector<16xi32>
      tpu.vector_store %arg7[%swap3A_239], %swap3A_242 {strides = array<i32>} : memref<1600xi32, #tpu.memory_space<vmem>>, vector<16xi32>,
      %scan3A_243 = arith.constant 100 : i32
      %ge3A_244 = arith.constant 2 : i32
      %ge3A_245 = arith.cmpi sge, %add3A_146, %ge3A_244 : i32
      %convert_element_type3A_246 = arith.extui %ge3A_245 : i1 to i32
      %cond3A_247 = arith.constant 0 : i32
      %cond3A_248 = arith.cmpi ne, %convert_element_type3A_246, %cond3A_247 : i32
      scf.if %cond3A_248 {
        %mul3A_485 = arith.constant 1600 : i32
        %mul3A_486 = arith.muli %add3A_146, %mul3A_485 : i32
        %add3A_487 = arith.addi %mul3A_2, %mul3A_486 : i32
        %dma_wait3A_488 = arith.constant 0 : i32
        %dma_wait3A_489 = tpu.memref_slice %arg5[%add3A_487, %dma_wait3A_488] : memref<1638400x16xf32, #tpu.memory_space<hbm>> -> memref<1600x16xf32, #tpu.memory_space<hbm>>
        %dma_wait3A_490 = arith.constant 0 : i32
        %dma_wait3A_491 = tpu.memref_slice %arg5[%add3A_487, %dma_wait3A_490] : memref<1638400x16xf32, #tpu.memory_space<hbm>> -> memref<1600x16xf32, #tpu.memory_space<hbm>>
        tpu.wait_dma2 semaphore(%arg19 : memref<!tpu.dma_semaphore, #tpu.memory_space<semaphore_mem>>) src(%arg12 : memref<1600x16xf32, #tpu.memory_space<vmem>>) dst(%dma_wait3A_491 : memref<1600x16xf32, #tpu.memory_space<hbm>>)
      } else {
      }
      %dma_start3A_249 = arith.constant 0 : i32
      %dma_start3A_250 = arith.constant 0 : i32
      %dma_start3A_251 = tpu.memref_slice %arg13[%dma_start3A_249, %dma_start3A_250] : memref<1600x16xf32, #tpu.memory_space<vmem_shared>> -> memref<1600x16xf32, #tpu.memory_space<vmem_shared>>
      tpu.enqueue_indirect_dma source(%dma_start3A_251 : memref<1600x16xf32, #tpu.memory_space<vmem_shared>>) target(%arg12 : memref<1600x16xf32, #tpu.memory_space<vmem>>) offsets(%arg7 : memref<1600xi32, #tpu.memory_space<vmem>>) semaphore(%arg17 : memref<!tpu.dma_semaphore, #tpu.memory_space<semaphore_mem>>)
      %gt3A_252 = arith.constant 0 : i32
      %gt3A_253 = arith.cmpi sgt, %add3A_146, %gt3A_252 : i32
      %convert_element_type3A_254 = arith.extui %gt3A_253 : i1 to i32
      %cond3A_255 = arith.constant 0 : i32
      %cond3A_256 = arith.cmpi ne, %convert_element_type3A_254, %cond3A_255 : i32
      scf.if %cond3A_256 {
        %dma_wait3A_485 = arith.constant 0 : i32
        %dma_wait3A_486 = arith.constant 0 : i32
        %dma_wait3A_487 = tpu.memref_slice %arg13[%dma_wait3A_485, %dma_wait3A_486] : memref<1600x16xf32, #tpu.memory_space<vmem_shared>> -> memref<1600x16xf32, #tpu.memory_space<vmem_shared>>
        tpu.wait_indirect_dma semaphore(%arg16 : memref<!tpu.dma_semaphore, #tpu.memory_space<semaphore_mem>>) src(%dma_wait3A_487 : memref<1600x16xf32, #tpu.memory_space<vmem_shared>>) dst(%arg11 : memref<1600x16xf32, #tpu.memory_space<vmem>>)
        %sub3A = arith.constant 1 : i32
        %sub3A_488 = arith.subi %add3A_146, %sub3A : i32
        %mul3A_489 = arith.constant 1600 : i32
        %mul3A_490 = arith.muli %sub3A_488, %mul3A_489 : i32
        %add3A_491 = arith.addi %mul3A_2, %mul3A_490 : i32
        %dma_start3A_492 = arith.constant 0 : i32
        %dma_start3A_493 = tpu.memref_slice %arg5[%add3A_491, %dma_start3A_492] : memref<1638400x16xf32, #tpu.memory_space<hbm>> -> memref<1600x16xf32, #tpu.memory_space<hbm>>
        %dma_start3A_494 = arith.constant 0 : i32
        %dma_start3A_495 = tpu.memref_slice %arg5[%add3A_491, %dma_start3A_494] : memref<1638400x16xf32, #tpu.memory_space<hbm>> -> memref<1600x16xf32, #tpu.memory_space<hbm>>
        tpu.enqueue_dma source(%arg11 : memref<1600x16xf32, #tpu.memory_space<vmem>>) target(%dma_start3A_495 : memref<1600x16xf32, #tpu.memory_space<hbm>>) target_semaphore(%arg18 : memref<!tpu.dma_semaphore, #tpu.memory_space<semaphore_mem>>)
      } else {
      }
      %mul3A_257 = arith.constant 4 : i32
      %mul3A_258 = arith.muli %add3A_34, %mul3A_257 : i32
      %add3A_259 = arith.constant 2 : i32
      %add3A_260 = arith.addi %mul3A_258, %add3A_259 : i32
      %add3A_261 = arith.constant 1 : i32
      %add3A_262 = arith.addi %add3A_260, %add3A_261 : i32
      %lt3A_263 = arith.constant 32 : i32
      %lt3A_264 = arith.cmpi slt, %add3A_262, %lt3A_263 : i32
      %convert_element_type3A_265 = arith.extui %lt3A_264 : i1 to i32
      %cond3A_266 = arith.constant 0 : i32
      %cond3A_267 = arith.cmpi ne, %convert_element_type3A_265, %cond3A_266 : i32
      scf.if %cond3A_267 {
        %add3A_485 = arith.constant 1 : i32
        %add3A_486 = arith.addi %add3A_260, %add3A_485 : i32
        %mul3A_487 = arith.constant 1600 : i32
        %mul3A_488 = arith.muli %add3A_486, %mul3A_487 : i32
        %add3A_489 = arith.addi %mul3A_2, %mul3A_488 : i32
        %dma_start3A_490 = tpu.memref_slice %arg2[%add3A_489] : memref<1638400xi32, #tpu.memory_space<hbm>> -> memref<1600xi32, #tpu.memory_space<hbm>>
        %dma_start3A_491 = tpu.memref_slice %arg2[%add3A_489] : memref<1638400xi32, #tpu.memory_space<hbm>> -> memref<1600xi32, #tpu.memory_space<hbm>>
        tpu.enqueue_dma source(%dma_start3A_491 : memref<1600xi32, #tpu.memory_space<hbm>>) target(%arg9 : memref<1600xi32, #tpu.memory_space<vmem>>) target_semaphore(%arg15 : memref<!tpu.dma_semaphore, #tpu.memory_space<semaphore_mem>>)
      } else {
      }
      %mul3A_268 = arith.constant 1600 : i32
      %mul3A_269 = arith.muli %add3A_260, %mul3A_268 : i32
      %add3A_270 = arith.addi %mul3A_2, %mul3A_269 : i32
      %dma_wait3A_271 = tpu.memref_slice %arg2[%add3A_270] : memref<1638400xi32, #tpu.memory_space<hbm>> -> memref<1600xi32, #tpu.memory_space<hbm>>
      %dma_wait3A_272 = tpu.memref_slice %arg2[%add3A_270] : memref<1638400xi32, #tpu.memory_space<hbm>> -> memref<1600xi32, #tpu.memory_space<hbm>>
      tpu.wait_dma2 semaphore(%arg14 : memref<!tpu.dma_semaphore, #tpu.memory_space<semaphore_mem>>) src(%dma_wait3A_272 : memref<1600xi32, #tpu.memory_space<hbm>>) dst(%arg8 : memref<1600xi32, #tpu.memory_space<vmem>>)
      %scan3A_273 = arith.constant 0 : i32
      %scan3A_274 = arith.constant 96 : i32
      %scan3A_275 = arith.addi %scan3A_273, %scan3A_274 : i32
      %scan3A_276 = arith.constant 8 : i32
      scf.for %scan3A_485 = %scan3A_273 to %scan3A_275 step %scan3A_276  : i32 {
        %mul3A_486 = arith.constant 1 : i32
        %mul3A_487 = arith.muli %scan3A_485, %mul3A_486 : i32
        %add3A_488 = arith.constant 0 : i32
        %add3A_489 = arith.addi %add3A_488, %mul3A_487 : i32
        %mul3A_490 = arith.constant 16 : i32
        %mul3A_491 = arith.muli %add3A_489, %mul3A_490 : i32
        %multiple_of3A_492 = tpu.assume_multiple %mul3A_491, 16 : i32
        %get3A_493 = arith.index_cast %multiple_of3A_492 : i32 to index
        %get3A_494 = tpu.vector_load %arg8[%get3A_493] {strides = array<i32>} : memref<1600xi32, #tpu.memory_space<vmem>>, vector<16xi32>,
        %get3A_495 = vector.shape_cast %get3A_494 : vector<16xi32> to vector<16xi32>
        %get3A_496 = arith.index_cast %multiple_of3A_492 : i32 to index
        %get3A_497 = tpu.vector_load %arg10[%get3A_496] {strides = array<i32>} : memref<1600xi32, #tpu.memory_space<vmem>>, vector<16xi32>,
        %get3A_498 = vector.shape_cast %get3A_497 : vector<16xi32> to vector<16xi32>
        %add3A_499 = arith.addi %get3A_495, %get3A_498 : vector<16xi32>
        %swap3A_500 = arith.index_cast %multiple_of3A_492 : i32 to index
        %swap3A_501 = tpu.vector_load %arg8[%swap3A_500] {strides = array<i32>} : memref<1600xi32, #tpu.memory_space<vmem>>, vector<16xi32>,
        %swap3A_502 = vector.shape_cast %swap3A_501 : vector<16xi32> to vector<16xi32>
        %swap3A_503 = vector.shape_cast %add3A_499 : vector<16xi32> to vector<16xi32>
        tpu.vector_store %arg8[%swap3A_500], %swap3A_503 {strides = array<i32>} : memref<1600xi32, #tpu.memory_space<vmem>>, vector<16xi32>,
        %scan3A_504 = arith.constant 1 : i32
        %scan3A_505 = arith.addi %scan3A_485, %scan3A_504 : i32
        %mul3A_506 = arith.constant 1 : i32
        %mul3A_507 = arith.muli %scan3A_505, %mul3A_506 : i32
        %add3A_508 = arith.constant 0 : i32
        %add3A_509 = arith.addi %add3A_508, %mul3A_507 : i32
        %mul3A_510 = arith.constant 16 : i32
        %mul3A_511 = arith.muli %add3A_509, %mul3A_510 : i32
        %multiple_of3A_512 = tpu.assume_multiple %mul3A_511, 16 : i32
        %get3A_513 = arith.index_cast %multiple_of3A_512 : i32 to index
        %get3A_514 = tpu.vector_load %arg8[%get3A_513] {strides = array<i32>} : memref<1600xi32, #tpu.memory_space<vmem>>, vector<16xi32>,
        %get3A_515 = vector.shape_cast %get3A_514 : vector<16xi32> to vector<16xi32>
        %get3A_516 = arith.index_cast %multiple_of3A_512 : i32 to index
        %get3A_517 = tpu.vector_load %arg10[%get3A_516] {strides = array<i32>} : memref<1600xi32, #tpu.memory_space<vmem>>, vector<16xi32>,
        %get3A_518 = vector.shape_cast %get3A_517 : vector<16xi32> to vector<16xi32>
        %add3A_519 = arith.addi %get3A_515, %get3A_518 : vector<16xi32>
        %swap3A_520 = arith.index_cast %multiple_of3A_512 : i32 to index
        %swap3A_521 = tpu.vector_load %arg8[%swap3A_520] {strides = array<i32>} : memref<1600xi32, #tpu.memory_space<vmem>>, vector<16xi32>,
        %swap3A_522 = vector.shape_cast %swap3A_521 : vector<16xi32> to vector<16xi32>
        %swap3A_523 = vector.shape_cast %add3A_519 : vector<16xi32> to vector<16xi32>
        tpu.vector_store %arg8[%swap3A_520], %swap3A_523 {strides = array<i32>} : memref<1600xi32, #tpu.memory_space<vmem>>, vector<16xi32>,
        %scan3A_524 = arith.constant 2 : i32
        %scan3A_525 = arith.addi %scan3A_485, %scan3A_524 : i32
        %mul3A_526 = arith.constant 1 : i32
        %mul3A_527 = arith.muli %scan3A_525, %mul3A_526 : i32
        %add3A_528 = arith.constant 0 : i32
        %add3A_529 = arith.addi %add3A_528, %mul3A_527 : i32
        %mul3A_530 = arith.constant 16 : i32
        %mul3A_531 = arith.muli %add3A_529, %mul3A_530 : i32
        %multiple_of3A_532 = tpu.assume_multiple %mul3A_531, 16 : i32
        %get3A_533 = arith.index_cast %multiple_of3A_532 : i32 to index
        %get3A_534 = tpu.vector_load %arg8[%get3A_533] {strides = array<i32>} : memref<1600xi32, #tpu.memory_space<vmem>>, vector<16xi32>,
        %get3A_535 = vector.shape_cast %get3A_534 : vector<16xi32> to vector<16xi32>
        %get3A_536 = arith.index_cast %multiple_of3A_532 : i32 to index
        %get3A_537 = tpu.vector_load %arg10[%get3A_536] {strides = array<i32>} : memref<1600xi32, #tpu.memory_space<vmem>>, vector<16xi32>,
        %get3A_538 = vector.shape_cast %get3A_537 : vector<16xi32> to vector<16xi32>
        %add3A_539 = arith.addi %get3A_535, %get3A_538 : vector<16xi32>
        %swap3A_540 = arith.index_cast %multiple_of3A_532 : i32 to index
        %swap3A_541 = tpu.vector_load %arg8[%swap3A_540] {strides = array<i32>} : memref<1600xi32, #tpu.memory_space<vmem>>, vector<16xi32>,
        %swap3A_542 = vector.shape_cast %swap3A_541 : vector<16xi32> to vector<16xi32>
        %swap3A_543 = vector.shape_cast %add3A_539 : vector<16xi32> to vector<16xi32>
        tpu.vector_store %arg8[%swap3A_540], %swap3A_543 {strides = array<i32>} : memref<1600xi32, #tpu.memory_space<vmem>>, vector<16xi32>,
        %scan3A_544 = arith.constant 3 : i32
        %scan3A_545 = arith.addi %scan3A_485, %scan3A_544 : i32
        %mul3A_546 = arith.constant 1 : i32
        %mul3A_547 = arith.muli %scan3A_545, %mul3A_546 : i32
        %add3A_548 = arith.constant 0 : i32
        %add3A_549 = arith.addi %add3A_548, %mul3A_547 : i32
        %mul3A_550 = arith.constant 16 : i32
        %mul3A_551 = arith.muli %add3A_549, %mul3A_550 : i32
        %multiple_of3A_552 = tpu.assume_multiple %mul3A_551, 16 : i32
        %get3A_553 = arith.index_cast %multiple_of3A_552 : i32 to index
        %get3A_554 = tpu.vector_load %arg8[%get3A_553] {strides = array<i32>} : memref<1600xi32, #tpu.memory_space<vmem>>, vector<16xi32>,
        %get3A_555 = vector.shape_cast %get3A_554 : vector<16xi32> to vector<16xi32>
        %get3A_556 = arith.index_cast %multiple_of3A_552 : i32 to index
        %get3A_557 = tpu.vector_load %arg10[%get3A_556] {strides = array<i32>} : memref<1600xi32, #tpu.memory_space<vmem>>, vector<16xi32>,
        %get3A_558 = vector.shape_cast %get3A_557 : vector<16xi32> to vector<16xi32>
        %add3A_559 = arith.addi %get3A_555, %get3A_558 : vector<16xi32>
        %swap3A_560 = arith.index_cast %multiple_of3A_552 : i32 to index
        %swap3A_561 = tpu.vector_load %arg8[%swap3A_560] {strides = array<i32>} : memref<1600xi32, #tpu.memory_space<vmem>>, vector<16xi32>,
        %swap3A_562 = vector.shape_cast %swap3A_561 : vector<16xi32> to vector<16xi32>
        %swap3A_563 = vector.shape_cast %add3A_559 : vector<16xi32> to vector<16xi32>
        tpu.vector_store %arg8[%swap3A_560], %swap3A_563 {strides = array<i32>} : memref<1600xi32, #tpu.memory_space<vmem>>, vector<16xi32>,
        %scan3A_564 = arith.constant 4 : i32
        %scan3A_565 = arith.addi %scan3A_485, %scan3A_564 : i32
        %mul3A_566 = arith.constant 1 : i32
        %mul3A_567 = arith.muli %scan3A_565, %mul3A_566 : i32
        %add3A_568 = arith.constant 0 : i32
        %add3A_569 = arith.addi %add3A_568, %mul3A_567 : i32
        %mul3A_570 = arith.constant 16 : i32
        %mul3A_571 = arith.muli %add3A_569, %mul3A_570 : i32
        %multiple_of3A_572 = tpu.assume_multiple %mul3A_571, 16 : i32
        %get3A_573 = arith.index_cast %multiple_of3A_572 : i32 to index
        %get3A_574 = tpu.vector_load %arg8[%get3A_573] {strides = array<i32>} : memref<1600xi32, #tpu.memory_space<vmem>>, vector<16xi32>,
        %get3A_575 = vector.shape_cast %get3A_574 : vector<16xi32> to vector<16xi32>
        %get3A_576 = arith.index_cast %multiple_of3A_572 : i32 to index
        %get3A_577 = tpu.vector_load %arg10[%get3A_576] {strides = array<i32>} : memref<1600xi32, #tpu.memory_space<vmem>>, vector<16xi32>,
        %get3A_578 = vector.shape_cast %get3A_577 : vector<16xi32> to vector<16xi32>
        %add3A_579 = arith.addi %get3A_575, %get3A_578 : vector<16xi32>
        %swap3A_580 = arith.index_cast %multiple_of3A_572 : i32 to index
        %swap3A_581 = tpu.vector_load %arg8[%swap3A_580] {strides = array<i32>} : memref<1600xi32, #tpu.memory_space<vmem>>, vector<16xi32>,
        %swap3A_582 = vector.shape_cast %swap3A_581 : vector<16xi32> to vector<16xi32>
        %swap3A_583 = vector.shape_cast %add3A_579 : vector<16xi32> to vector<16xi32>
        tpu.vector_store %arg8[%swap3A_580], %swap3A_583 {strides = array<i32>} : memref<1600xi32, #tpu.memory_space<vmem>>, vector<16xi32>,
        %scan3A_584 = arith.constant 5 : i32
        %scan3A_585 = arith.addi %scan3A_485, %scan3A_584 : i32
        %mul3A_586 = arith.constant 1 : i32
        %mul3A_587 = arith.muli %scan3A_585, %mul3A_586 : i32
        %add3A_588 = arith.constant 0 : i32
        %add3A_589 = arith.addi %add3A_588, %mul3A_587 : i32
        %mul3A_590 = arith.constant 16 : i32
        %mul3A_591 = arith.muli %add3A_589, %mul3A_590 : i32
        %multiple_of3A_592 = tpu.assume_multiple %mul3A_591, 16 : i32
        %get3A_593 = arith.index_cast %multiple_of3A_592 : i32 to index
        %get3A_594 = tpu.vector_load %arg8[%get3A_593] {strides = array<i32>} : memref<1600xi32, #tpu.memory_space<vmem>>, vector<16xi32>,
        %get3A_595 = vector.shape_cast %get3A_594 : vector<16xi32> to vector<16xi32>
        %get3A_596 = arith.index_cast %multiple_of3A_592 : i32 to index
        %get3A_597 = tpu.vector_load %arg10[%get3A_596] {strides = array<i32>} : memref<1600xi32, #tpu.memory_space<vmem>>, vector<16xi32>,
        %get3A_598 = vector.shape_cast %get3A_597 : vector<16xi32> to vector<16xi32>
        %add3A_599 = arith.addi %get3A_595, %get3A_598 : vector<16xi32>
        %swap3A_600 = arith.index_cast %multiple_of3A_592 : i32 to index
        %swap3A_601 = tpu.vector_load %arg8[%swap3A_600] {strides = array<i32>} : memref<1600xi32, #tpu.memory_space<vmem>>, vector<16xi32>,
        %swap3A_602 = vector.shape_cast %swap3A_601 : vector<16xi32> to vector<16xi32>
        %swap3A_603 = vector.shape_cast %add3A_599 : vector<16xi32> to vector<16xi32>
        tpu.vector_store %arg8[%swap3A_600], %swap3A_603 {strides = array<i32>} : memref<1600xi32, #tpu.memory_space<vmem>>, vector<16xi32>,
        %scan3A_604 = arith.constant 6 : i32
        %scan3A_605 = arith.addi %scan3A_485, %scan3A_604 : i32
        %mul3A_606 = arith.constant 1 : i32
        %mul3A_607 = arith.muli %scan3A_605, %mul3A_606 : i32
        %add3A_608 = arith.constant 0 : i32
        %add3A_609 = arith.addi %add3A_608, %mul3A_607 : i32
        %mul3A_610 = arith.constant 16 : i32
        %mul3A_611 = arith.muli %add3A_609, %mul3A_610 : i32
        %multiple_of3A_612 = tpu.assume_multiple %mul3A_611, 16 : i32
        %get3A_613 = arith.index_cast %multiple_of3A_612 : i32 to index
        %get3A_614 = tpu.vector_load %arg8[%get3A_613] {strides = array<i32>} : memref<1600xi32, #tpu.memory_space<vmem>>, vector<16xi32>,
        %get3A_615 = vector.shape_cast %get3A_614 : vector<16xi32> to vector<16xi32>
        %get3A_616 = arith.index_cast %multiple_of3A_612 : i32 to index
        %get3A_617 = tpu.vector_load %arg10[%get3A_616] {strides = array<i32>} : memref<1600xi32, #tpu.memory_space<vmem>>, vector<16xi32>,
        %get3A_618 = vector.shape_cast %get3A_617 : vector<16xi32> to vector<16xi32>
        %add3A_619 = arith.addi %get3A_615, %get3A_618 : vector<16xi32>
        %swap3A_620 = arith.index_cast %multiple_of3A_612 : i32 to index
        %swap3A_621 = tpu.vector_load %arg8[%swap3A_620] {strides = array<i32>} : memref<1600xi32, #tpu.memory_space<vmem>>, vector<16xi32>,
        %swap3A_622 = vector.shape_cast %swap3A_621 : vector<16xi32> to vector<16xi32>
        %swap3A_623 = vector.shape_cast %add3A_619 : vector<16xi32> to vector<16xi32>
        tpu.vector_store %arg8[%swap3A_620], %swap3A_623 {strides = array<i32>} : memref<1600xi32, #tpu.memory_space<vmem>>, vector<16xi32>,
        %scan3A_624 = arith.constant 7 : i32
        %scan3A_625 = arith.addi %scan3A_485, %scan3A_624 : i32
        %mul3A_626 = arith.constant 1 : i32
        %mul3A_627 = arith.muli %scan3A_625, %mul3A_626 : i32
        %add3A_628 = arith.constant 0 : i32
        %add3A_629 = arith.addi %add3A_628, %mul3A_627 : i32
        %mul3A_630 = arith.constant 16 : i32
        %mul3A_631 = arith.muli %add3A_629, %mul3A_630 : i32
        %multiple_of3A_632 = tpu.assume_multiple %mul3A_631, 16 : i32
        %get3A_633 = arith.index_cast %multiple_of3A_632 : i32 to index
        %get3A_634 = tpu.vector_load %arg8[%get3A_633] {strides = array<i32>} : memref<1600xi32, #tpu.memory_space<vmem>>, vector<16xi32>,
        %get3A_635 = vector.shape_cast %get3A_634 : vector<16xi32> to vector<16xi32>
        %get3A_636 = arith.index_cast %multiple_of3A_632 : i32 to index
        %get3A_637 = tpu.vector_load %arg10[%get3A_636] {strides = array<i32>} : memref<1600xi32, #tpu.memory_space<vmem>>, vector<16xi32>,
        %get3A_638 = vector.shape_cast %get3A_637 : vector<16xi32> to vector<16xi32>
        %add3A_639 = arith.addi %get3A_635, %get3A_638 : vector<16xi32>
        %swap3A_640 = arith.index_cast %multiple_of3A_632 : i32 to index
        %swap3A_641 = tpu.vector_load %arg8[%swap3A_640] {strides = array<i32>} : memref<1600xi32, #tpu.memory_space<vmem>>, vector<16xi32>,
        %swap3A_642 = vector.shape_cast %swap3A_641 : vector<16xi32> to vector<16xi32>
        %swap3A_643 = vector.shape_cast %add3A_639 : vector<16xi32> to vector<16xi32>
        tpu.vector_store %arg8[%swap3A_640], %swap3A_643 {strides = array<i32>} : memref<1600xi32, #tpu.memory_space<vmem>>, vector<16xi32>,
      }
      %scan3A_277 = arith.constant 96 : i32
      %scan3A_278 = arith.addi %scan3A_273, %scan3A_277 : i32
      %mul3A_279 = arith.constant 1 : i32
      %mul3A_280 = arith.muli %scan3A_278, %mul3A_279 : i32
      %add3A_281 = arith.constant 0 : i32
      %add3A_282 = arith.addi %add3A_281, %mul3A_280 : i32
      %mul3A_283 = arith.constant 16 : i32
      %mul3A_284 = arith.muli %add3A_282, %mul3A_283 : i32
      %multiple_of3A_285 = tpu.assume_multiple %mul3A_284, 16 : i32
      %get3A_286 = arith.index_cast %multiple_of3A_285 : i32 to index
      %get3A_287 = tpu.vector_load %arg8[%get3A_286] {strides = array<i32>} : memref<1600xi32, #tpu.memory_space<vmem>>, vector<16xi32>,
      %get3A_288 = vector.shape_cast %get3A_287 : vector<16xi32> to vector<16xi32>
      %get3A_289 = arith.index_cast %multiple_of3A_285 : i32 to index
      %get3A_290 = tpu.vector_load %arg10[%get3A_289] {strides = array<i32>} : memref<1600xi32, #tpu.memory_space<vmem>>, vector<16xi32>,
      %get3A_291 = vector.shape_cast %get3A_290 : vector<16xi32> to vector<16xi32>
      %add3A_292 = arith.addi %get3A_288, %get3A_291 : vector<16xi32>
      %swap3A_293 = arith.index_cast %multiple_of3A_285 : i32 to index
      %swap3A_294 = tpu.vector_load %arg8[%swap3A_293] {strides = array<i32>} : memref<1600xi32, #tpu.memory_space<vmem>>, vector<16xi32>,
      %swap3A_295 = vector.shape_cast %swap3A_294 : vector<16xi32> to vector<16xi32>
      %swap3A_296 = vector.shape_cast %add3A_292 : vector<16xi32> to vector<16xi32>
      tpu.vector_store %arg8[%swap3A_293], %swap3A_296 {strides = array<i32>} : memref<1600xi32, #tpu.memory_space<vmem>>, vector<16xi32>,
      %scan3A_297 = arith.constant 97 : i32
      %scan3A_298 = arith.addi %scan3A_273, %scan3A_297 : i32
      %mul3A_299 = arith.constant 1 : i32
      %mul3A_300 = arith.muli %scan3A_298, %mul3A_299 : i32
      %add3A_301 = arith.constant 0 : i32
      %add3A_302 = arith.addi %add3A_301, %mul3A_300 : i32
      %mul3A_303 = arith.constant 16 : i32
      %mul3A_304 = arith.muli %add3A_302, %mul3A_303 : i32
      %multiple_of3A_305 = tpu.assume_multiple %mul3A_304, 16 : i32
      %get3A_306 = arith.index_cast %multiple_of3A_305 : i32 to index
      %get3A_307 = tpu.vector_load %arg8[%get3A_306] {strides = array<i32>} : memref<1600xi32, #tpu.memory_space<vmem>>, vector<16xi32>,
      %get3A_308 = vector.shape_cast %get3A_307 : vector<16xi32> to vector<16xi32>
      %get3A_309 = arith.index_cast %multiple_of3A_305 : i32 to index
      %get3A_310 = tpu.vector_load %arg10[%get3A_309] {strides = array<i32>} : memref<1600xi32, #tpu.memory_space<vmem>>, vector<16xi32>,
      %get3A_311 = vector.shape_cast %get3A_310 : vector<16xi32> to vector<16xi32>
      %add3A_312 = arith.addi %get3A_308, %get3A_311 : vector<16xi32>
      %swap3A_313 = arith.index_cast %multiple_of3A_305 : i32 to index
      %swap3A_314 = tpu.vector_load %arg8[%swap3A_313] {strides = array<i32>} : memref<1600xi32, #tpu.memory_space<vmem>>, vector<16xi32>,
      %swap3A_315 = vector.shape_cast %swap3A_314 : vector<16xi32> to vector<16xi32>
      %swap3A_316 = vector.shape_cast %add3A_312 : vector<16xi32> to vector<16xi32>
      tpu.vector_store %arg8[%swap3A_313], %swap3A_316 {strides = array<i32>} : memref<1600xi32, #tpu.memory_space<vmem>>, vector<16xi32>,
      %scan3A_317 = arith.constant 98 : i32
      %scan3A_318 = arith.addi %scan3A_273, %scan3A_317 : i32
      %mul3A_319 = arith.constant 1 : i32
      %mul3A_320 = arith.muli %scan3A_318, %mul3A_319 : i32
      %add3A_321 = arith.constant 0 : i32
      %add3A_322 = arith.addi %add3A_321, %mul3A_320 : i32
      %mul3A_323 = arith.constant 16 : i32
      %mul3A_324 = arith.muli %add3A_322, %mul3A_323 : i32
      %multiple_of3A_325 = tpu.assume_multiple %mul3A_324, 16 : i32
      %get3A_326 = arith.index_cast %multiple_of3A_325 : i32 to index
      %get3A_327 = tpu.vector_load %arg8[%get3A_326] {strides = array<i32>} : memref<1600xi32, #tpu.memory_space<vmem>>, vector<16xi32>,
      %get3A_328 = vector.shape_cast %get3A_327 : vector<16xi32> to vector<16xi32>
      %get3A_329 = arith.index_cast %multiple_of3A_325 : i32 to index
      %get3A_330 = tpu.vector_load %arg10[%get3A_329] {strides = array<i32>} : memref<1600xi32, #tpu.memory_space<vmem>>, vector<16xi32>,
      %get3A_331 = vector.shape_cast %get3A_330 : vector<16xi32> to vector<16xi32>
      %add3A_332 = arith.addi %get3A_328, %get3A_331 : vector<16xi32>
      %swap3A_333 = arith.index_cast %multiple_of3A_325 : i32 to index
      %swap3A_334 = tpu.vector_load %arg8[%swap3A_333] {strides = array<i32>} : memref<1600xi32, #tpu.memory_space<vmem>>, vector<16xi32>,
      %swap3A_335 = vector.shape_cast %swap3A_334 : vector<16xi32> to vector<16xi32>
      %swap3A_336 = vector.shape_cast %add3A_332 : vector<16xi32> to vector<16xi32>
      tpu.vector_store %arg8[%swap3A_333], %swap3A_336 {strides = array<i32>} : memref<1600xi32, #tpu.memory_space<vmem>>, vector<16xi32>,
      %scan3A_337 = arith.constant 99 : i32
      %scan3A_338 = arith.addi %scan3A_273, %scan3A_337 : i32
      %mul3A_339 = arith.constant 1 : i32
      %mul3A_340 = arith.muli %scan3A_338, %mul3A_339 : i32
      %add3A_341 = arith.constant 0 : i32
      %add3A_342 = arith.addi %add3A_341, %mul3A_340 : i32
      %mul3A_343 = arith.constant 16 : i32
      %mul3A_344 = arith.muli %add3A_342, %mul3A_343 : i32
      %multiple_of3A_345 = tpu.assume_multiple %mul3A_344, 16 : i32
      %get3A_346 = arith.index_cast %multiple_of3A_345 : i32 to index
      %get3A_347 = tpu.vector_load %arg8[%get3A_346] {strides = array<i32>} : memref<1600xi32, #tpu.memory_space<vmem>>, vector<16xi32>,
      %get3A_348 = vector.shape_cast %get3A_347 : vector<16xi32> to vector<16xi32>
      %get3A_349 = arith.index_cast %multiple_of3A_345 : i32 to index
      %get3A_350 = tpu.vector_load %arg10[%get3A_349] {strides = array<i32>} : memref<1600xi32, #tpu.memory_space<vmem>>, vector<16xi32>,
      %get3A_351 = vector.shape_cast %get3A_350 : vector<16xi32> to vector<16xi32>
      %add3A_352 = arith.addi %get3A_348, %get3A_351 : vector<16xi32>
      %swap3A_353 = arith.index_cast %multiple_of3A_345 : i32 to index
      %swap3A_354 = tpu.vector_load %arg8[%swap3A_353] {strides = array<i32>} : memref<1600xi32, #tpu.memory_space<vmem>>, vector<16xi32>,
      %swap3A_355 = vector.shape_cast %swap3A_354 : vector<16xi32> to vector<16xi32>
      %swap3A_356 = vector.shape_cast %add3A_352 : vector<16xi32> to vector<16xi32>
      tpu.vector_store %arg8[%swap3A_353], %swap3A_356 {strides = array<i32>} : memref<1600xi32, #tpu.memory_space<vmem>>, vector<16xi32>,
      %scan3A_357 = arith.constant 100 : i32
      %ge3A_358 = arith.constant 2 : i32
      %ge3A_359 = arith.cmpi sge, %add3A_260, %ge3A_358 : i32
      %convert_element_type3A_360 = arith.extui %ge3A_359 : i1 to i32
      %cond3A_361 = arith.constant 0 : i32
      %cond3A_362 = arith.cmpi ne, %convert_element_type3A_360, %cond3A_361 : i32
      scf.if %cond3A_362 {
        %mul3A_485 = arith.constant 1600 : i32
        %mul3A_486 = arith.muli %add3A_260, %mul3A_485 : i32
        %add3A_487 = arith.addi %mul3A_2, %mul3A_486 : i32
        %dma_wait3A_488 = arith.constant 0 : i32
        %dma_wait3A_489 = tpu.memref_slice %arg5[%add3A_487, %dma_wait3A_488] : memref<1638400x16xf32, #tpu.memory_space<hbm>> -> memref<1600x16xf32, #tpu.memory_space<hbm>>
        %dma_wait3A_490 = arith.constant 0 : i32
        %dma_wait3A_491 = tpu.memref_slice %arg5[%add3A_487, %dma_wait3A_490] : memref<1638400x16xf32, #tpu.memory_space<hbm>> -> memref<1600x16xf32, #tpu.memory_space<hbm>>
        tpu.wait_dma2 semaphore(%arg18 : memref<!tpu.dma_semaphore, #tpu.memory_space<semaphore_mem>>) src(%arg11 : memref<1600x16xf32, #tpu.memory_space<vmem>>) dst(%dma_wait3A_491 : memref<1600x16xf32, #tpu.memory_space<hbm>>)
      } else {
      }
      %dma_start3A_363 = arith.constant 0 : i32
      %dma_start3A_364 = arith.constant 0 : i32
      %dma_start3A_365 = tpu.memref_slice %arg13[%dma_start3A_363, %dma_start3A_364] : memref<1600x16xf32, #tpu.memory_space<vmem_shared>> -> memref<1600x16xf32, #tpu.memory_space<vmem_shared>>
      tpu.enqueue_indirect_dma source(%dma_start3A_365 : memref<1600x16xf32, #tpu.memory_space<vmem_shared>>) target(%arg11 : memref<1600x16xf32, #tpu.memory_space<vmem>>) offsets(%arg8 : memref<1600xi32, #tpu.memory_space<vmem>>) semaphore(%arg16 : memref<!tpu.dma_semaphore, #tpu.memory_space<semaphore_mem>>)
      %gt3A_366 = arith.constant 0 : i32
      %gt3A_367 = arith.cmpi sgt, %add3A_260, %gt3A_366 : i32
      %convert_element_type3A_368 = arith.extui %gt3A_367 : i1 to i32
      %cond3A_369 = arith.constant 0 : i32
      %cond3A_370 = arith.cmpi ne, %convert_element_type3A_368, %cond3A_369 : i32
      scf.if %cond3A_370 {
        %dma_wait3A_485 = arith.constant 0 : i32
        %dma_wait3A_486 = arith.constant 0 : i32
        %dma_wait3A_487 = tpu.memref_slice %arg13[%dma_wait3A_485, %dma_wait3A_486] : memref<1600x16xf32, #tpu.memory_space<vmem_shared>> -> memref<1600x16xf32, #tpu.memory_space<vmem_shared>>
        tpu.wait_indirect_dma semaphore(%arg17 : memref<!tpu.dma_semaphore, #tpu.memory_space<semaphore_mem>>) src(%dma_wait3A_487 : memref<1600x16xf32, #tpu.memory_space<vmem_shared>>) dst(%arg12 : memref<1600x16xf32, #tpu.memory_space<vmem>>)
        %sub3A = arith.constant 1 : i32
        %sub3A_488 = arith.subi %add3A_260, %sub3A : i32
        %mul3A_489 = arith.constant 1600 : i32
        %mul3A_490 = arith.muli %sub3A_488, %mul3A_489 : i32
        %add3A_491 = arith.addi %mul3A_2, %mul3A_490 : i32
        %dma_start3A_492 = arith.constant 0 : i32
        %dma_start3A_493 = tpu.memref_slice %arg5[%add3A_491, %dma_start3A_492] : memref<1638400x16xf32, #tpu.memory_space<hbm>> -> memref<1600x16xf32, #tpu.memory_space<hbm>>
        %dma_start3A_494 = arith.constant 0 : i32
        %dma_start3A_495 = tpu.memref_slice %arg5[%add3A_491, %dma_start3A_494] : memref<1638400x16xf32, #tpu.memory_space<hbm>> -> memref<1600x16xf32, #tpu.memory_space<hbm>>
        tpu.enqueue_dma source(%arg12 : memref<1600x16xf32, #tpu.memory_space<vmem>>) target(%dma_start3A_495 : memref<1600x16xf32, #tpu.memory_space<hbm>>) target_semaphore(%arg19 : memref<!tpu.dma_semaphore, #tpu.memory_space<semaphore_mem>>)
      } else {
      }
      %mul3A_371 = arith.constant 4 : i32
      %mul3A_372 = arith.muli %add3A_34, %mul3A_371 : i32
      %add3A_373 = arith.constant 3 : i32
      %add3A_374 = arith.addi %mul3A_372, %add3A_373 : i32
      %add3A_375 = arith.constant 1 : i32
      %add3A_376 = arith.addi %add3A_374, %add3A_375 : i32
      %lt3A_377 = arith.constant 32 : i32
      %lt3A_378 = arith.cmpi slt, %add3A_376, %lt3A_377 : i32
      %convert_element_type3A_379 = arith.extui %lt3A_378 : i1 to i32
      %cond3A_380 = arith.constant 0 : i32
      %cond3A_381 = arith.cmpi ne, %convert_element_type3A_379, %cond3A_380 : i32
      scf.if %cond3A_381 {
        %add3A_485 = arith.constant 1 : i32
        %add3A_486 = arith.addi %add3A_374, %add3A_485 : i32
        %mul3A_487 = arith.constant 1600 : i32
        %mul3A_488 = arith.muli %add3A_486, %mul3A_487 : i32
        %add3A_489 = arith.addi %mul3A_2, %mul3A_488 : i32
        %dma_start3A_490 = tpu.memref_slice %arg2[%add3A_489] : memref<1638400xi32, #tpu.memory_space<hbm>> -> memref<1600xi32, #tpu.memory_space<hbm>>
        %dma_start3A_491 = tpu.memref_slice %arg2[%add3A_489] : memref<1638400xi32, #tpu.memory_space<hbm>> -> memref<1600xi32, #tpu.memory_space<hbm>>
        tpu.enqueue_dma source(%dma_start3A_491 : memref<1600xi32, #tpu.memory_space<hbm>>) target(%arg6 : memref<1600xi32, #tpu.memory_space<vmem>>) target_semaphore(%arg14 : memref<!tpu.dma_semaphore, #tpu.memory_space<semaphore_mem>>)
      } else {
      }
      %mul3A_382 = arith.constant 1600 : i32
      %mul3A_383 = arith.muli %add3A_374, %mul3A_382 : i32
      %add3A_384 = arith.addi %mul3A_2, %mul3A_383 : i32
      %dma_wait3A_385 = tpu.memref_slice %arg2[%add3A_384] : memref<1638400xi32, #tpu.memory_space<hbm>> -> memref<1600xi32, #tpu.memory_space<hbm>>
      %dma_wait3A_386 = tpu.memref_slice %arg2[%add3A_384] : memref<1638400xi32, #tpu.memory_space<hbm>> -> memref<1600xi32, #tpu.memory_space<hbm>>
      tpu.wait_dma2 semaphore(%arg15 : memref<!tpu.dma_semaphore, #tpu.memory_space<semaphore_mem>>) src(%dma_wait3A_386 : memref<1600xi32, #tpu.memory_space<hbm>>) dst(%arg9 : memref<1600xi32, #tpu.memory_space<vmem>>)
      %scan3A_387 = arith.constant 0 : i32
      %scan3A_388 = arith.constant 96 : i32
      %scan3A_389 = arith.addi %scan3A_387, %scan3A_388 : i32
      %scan3A_390 = arith.constant 8 : i32
      scf.for %scan3A_485 = %scan3A_387 to %scan3A_389 step %scan3A_390  : i32 {
        %mul3A_486 = arith.constant 1 : i32
        %mul3A_487 = arith.muli %scan3A_485, %mul3A_486 : i32
        %add3A_488 = arith.constant 0 : i32
        %add3A_489 = arith.addi %add3A_488, %mul3A_487 : i32
        %mul3A_490 = arith.constant 16 : i32
        %mul3A_491 = arith.muli %add3A_489, %mul3A_490 : i32
        %multiple_of3A_492 = tpu.assume_multiple %mul3A_491, 16 : i32
        %get3A_493 = arith.index_cast %multiple_of3A_492 : i32 to index
        %get3A_494 = tpu.vector_load %arg9[%get3A_493] {strides = array<i32>} : memref<1600xi32, #tpu.memory_space<vmem>>, vector<16xi32>,
        %get3A_495 = vector.shape_cast %get3A_494 : vector<16xi32> to vector<16xi32>
        %get3A_496 = arith.index_cast %multiple_of3A_492 : i32 to index
        %get3A_497 = tpu.vector_load %arg10[%get3A_496] {strides = array<i32>} : memref<1600xi32, #tpu.memory_space<vmem>>, vector<16xi32>,
        %get3A_498 = vector.shape_cast %get3A_497 : vector<16xi32> to vector<16xi32>
        %add3A_499 = arith.addi %get3A_495, %get3A_498 : vector<16xi32>
        %swap3A_500 = arith.index_cast %multiple_of3A_492 : i32 to index
        %swap3A_501 = tpu.vector_load %arg9[%swap3A_500] {strides = array<i32>} : memref<1600xi32, #tpu.memory_space<vmem>>, vector<16xi32>,
        %swap3A_502 = vector.shape_cast %swap3A_501 : vector<16xi32> to vector<16xi32>
        %swap3A_503 = vector.shape_cast %add3A_499 : vector<16xi32> to vector<16xi32>
        tpu.vector_store %arg9[%swap3A_500], %swap3A_503 {strides = array<i32>} : memref<1600xi32, #tpu.memory_space<vmem>>, vector<16xi32>,
        %scan3A_504 = arith.constant 1 : i32
        %scan3A_505 = arith.addi %scan3A_485, %scan3A_504 : i32
        %mul3A_506 = arith.constant 1 : i32
        %mul3A_507 = arith.muli %scan3A_505, %mul3A_506 : i32
        %add3A_508 = arith.constant 0 : i32
        %add3A_509 = arith.addi %add3A_508, %mul3A_507 : i32
        %mul3A_510 = arith.constant 16 : i32
        %mul3A_511 = arith.muli %add3A_509, %mul3A_510 : i32
        %multiple_of3A_512 = tpu.assume_multiple %mul3A_511, 16 : i32
        %get3A_513 = arith.index_cast %multiple_of3A_512 : i32 to index
        %get3A_514 = tpu.vector_load %arg9[%get3A_513] {strides = array<i32>} : memref<1600xi32, #tpu.memory_space<vmem>>, vector<16xi32>,
        %get3A_515 = vector.shape_cast %get3A_514 : vector<16xi32> to vector<16xi32>
        %get3A_516 = arith.index_cast %multiple_of3A_512 : i32 to index
        %get3A_517 = tpu.vector_load %arg10[%get3A_516] {strides = array<i32>} : memref<1600xi32, #tpu.memory_space<vmem>>, vector<16xi32>,
        %get3A_518 = vector.shape_cast %get3A_517 : vector<16xi32> to vector<16xi32>
        %add3A_519 = arith.addi %get3A_515, %get3A_518 : vector<16xi32>
        %swap3A_520 = arith.index_cast %multiple_of3A_512 : i32 to index
        %swap3A_521 = tpu.vector_load %arg9[%swap3A_520] {strides = array<i32>} : memref<1600xi32, #tpu.memory_space<vmem>>, vector<16xi32>,
        %swap3A_522 = vector.shape_cast %swap3A_521 : vector<16xi32> to vector<16xi32>
        %swap3A_523 = vector.shape_cast %add3A_519 : vector<16xi32> to vector<16xi32>
        tpu.vector_store %arg9[%swap3A_520], %swap3A_523 {strides = array<i32>} : memref<1600xi32, #tpu.memory_space<vmem>>, vector<16xi32>,
        %scan3A_524 = arith.constant 2 : i32
        %scan3A_525 = arith.addi %scan3A_485, %scan3A_524 : i32
        %mul3A_526 = arith.constant 1 : i32
        %mul3A_527 = arith.muli %scan3A_525, %mul3A_526 : i32
        %add3A_528 = arith.constant 0 : i32
        %add3A_529 = arith.addi %add3A_528, %mul3A_527 : i32
        %mul3A_530 = arith.constant 16 : i32
        %mul3A_531 = arith.muli %add3A_529, %mul3A_530 : i32
        %multiple_of3A_532 = tpu.assume_multiple %mul3A_531, 16 : i32
        %get3A_533 = arith.index_cast %multiple_of3A_532 : i32 to index
        %get3A_534 = tpu.vector_load %arg9[%get3A_533] {strides = array<i32>} : memref<1600xi32, #tpu.memory_space<vmem>>, vector<16xi32>,
        %get3A_535 = vector.shape_cast %get3A_534 : vector<16xi32> to vector<16xi32>
        %get3A_536 = arith.index_cast %multiple_of3A_532 : i32 to index
        %get3A_537 = tpu.vector_load %arg10[%get3A_536] {strides = array<i32>} : memref<1600xi32, #tpu.memory_space<vmem>>, vector<16xi32>,
        %get3A_538 = vector.shape_cast %get3A_537 : vector<16xi32> to vector<16xi32>
        %add3A_539 = arith.addi %get3A_535, %get3A_538 : vector<16xi32>
        %swap3A_540 = arith.index_cast %multiple_of3A_532 : i32 to index
        %swap3A_541 = tpu.vector_load %arg9[%swap3A_540] {strides = array<i32>} : memref<1600xi32, #tpu.memory_space<vmem>>, vector<16xi32>,
        %swap3A_542 = vector.shape_cast %swap3A_541 : vector<16xi32> to vector<16xi32>
        %swap3A_543 = vector.shape_cast %add3A_539 : vector<16xi32> to vector<16xi32>
        tpu.vector_store %arg9[%swap3A_540], %swap3A_543 {strides = array<i32>} : memref<1600xi32, #tpu.memory_space<vmem>>, vector<16xi32>,
        %scan3A_544 = arith.constant 3 : i32
        %scan3A_545 = arith.addi %scan3A_485, %scan3A_544 : i32
        %mul3A_546 = arith.constant 1 : i32
        %mul3A_547 = arith.muli %scan3A_545, %mul3A_546 : i32
        %add3A_548 = arith.constant 0 : i32
        %add3A_549 = arith.addi %add3A_548, %mul3A_547 : i32
        %mul3A_550 = arith.constant 16 : i32
        %mul3A_551 = arith.muli %add3A_549, %mul3A_550 : i32
        %multiple_of3A_552 = tpu.assume_multiple %mul3A_551, 16 : i32
        %get3A_553 = arith.index_cast %multiple_of3A_552 : i32 to index
        %get3A_554 = tpu.vector_load %arg9[%get3A_553] {strides = array<i32>} : memref<1600xi32, #tpu.memory_space<vmem>>, vector<16xi32>,
        %get3A_555 = vector.shape_cast %get3A_554 : vector<16xi32> to vector<16xi32>
        %get3A_556 = arith.index_cast %multiple_of3A_552 : i32 to index
        %get3A_557 = tpu.vector_load %arg10[%get3A_556] {strides = array<i32>} : memref<1600xi32, #tpu.memory_space<vmem>>, vector<16xi32>,
        %get3A_558 = vector.shape_cast %get3A_557 : vector<16xi32> to vector<16xi32>
        %add3A_559 = arith.addi %get3A_555, %get3A_558 : vector<16xi32>
        %swap3A_560 = arith.index_cast %multiple_of3A_552 : i32 to index
        %swap3A_561 = tpu.vector_load %arg9[%swap3A_560] {strides = array<i32>} : memref<1600xi32, #tpu.memory_space<vmem>>, vector<16xi32>,
        %swap3A_562 = vector.shape_cast %swap3A_561 : vector<16xi32> to vector<16xi32>
        %swap3A_563 = vector.shape_cast %add3A_559 : vector<16xi32> to vector<16xi32>
        tpu.vector_store %arg9[%swap3A_560], %swap3A_563 {strides = array<i32>} : memref<1600xi32, #tpu.memory_space<vmem>>, vector<16xi32>,
        %scan3A_564 = arith.constant 4 : i32
        %scan3A_565 = arith.addi %scan3A_485, %scan3A_564 : i32
        %mul3A_566 = arith.constant 1 : i32
        %mul3A_567 = arith.muli %scan3A_565, %mul3A_566 : i32
        %add3A_568 = arith.constant 0 : i32
        %add3A_569 = arith.addi %add3A_568, %mul3A_567 : i32
        %mul3A_570 = arith.constant 16 : i32
        %mul3A_571 = arith.muli %add3A_569, %mul3A_570 : i32
        %multiple_of3A_572 = tpu.assume_multiple %mul3A_571, 16 : i32
        %get3A_573 = arith.index_cast %multiple_of3A_572 : i32 to index
        %get3A_574 = tpu.vector_load %arg9[%get3A_573] {strides = array<i32>} : memref<1600xi32, #tpu.memory_space<vmem>>, vector<16xi32>,
        %get3A_575 = vector.shape_cast %get3A_574 : vector<16xi32> to vector<16xi32>
        %get3A_576 = arith.index_cast %multiple_of3A_572 : i32 to index
        %get3A_577 = tpu.vector_load %arg10[%get3A_576] {strides = array<i32>} : memref<1600xi32, #tpu.memory_space<vmem>>, vector<16xi32>,
        %get3A_578 = vector.shape_cast %get3A_577 : vector<16xi32> to vector<16xi32>
        %add3A_579 = arith.addi %get3A_575, %get3A_578 : vector<16xi32>
        %swap3A_580 = arith.index_cast %multiple_of3A_572 : i32 to index
        %swap3A_581 = tpu.vector_load %arg9[%swap3A_580] {strides = array<i32>} : memref<1600xi32, #tpu.memory_space<vmem>>, vector<16xi32>,
        %swap3A_582 = vector.shape_cast %swap3A_581 : vector<16xi32> to vector<16xi32>
        %swap3A_583 = vector.shape_cast %add3A_579 : vector<16xi32> to vector<16xi32>
        tpu.vector_store %arg9[%swap3A_580], %swap3A_583 {strides = array<i32>} : memref<1600xi32, #tpu.memory_space<vmem>>, vector<16xi32>,
        %scan3A_584 = arith.constant 5 : i32
        %scan3A_585 = arith.addi %scan3A_485, %scan3A_584 : i32
        %mul3A_586 = arith.constant 1 : i32
        %mul3A_587 = arith.muli %scan3A_585, %mul3A_586 : i32
        %add3A_588 = arith.constant 0 : i32
        %add3A_589 = arith.addi %add3A_588, %mul3A_587 : i32
        %mul3A_590 = arith.constant 16 : i32
        %mul3A_591 = arith.muli %add3A_589, %mul3A_590 : i32
        %multiple_of3A_592 = tpu.assume_multiple %mul3A_591, 16 : i32
        %get3A_593 = arith.index_cast %multiple_of3A_592 : i32 to index
        %get3A_594 = tpu.vector_load %arg9[%get3A_593] {strides = array<i32>} : memref<1600xi32, #tpu.memory_space<vmem>>, vector<16xi32>,
        %get3A_595 = vector.shape_cast %get3A_594 : vector<16xi32> to vector<16xi32>
        %get3A_596 = arith.index_cast %multiple_of3A_592 : i32 to index
        %get3A_597 = tpu.vector_load %arg10[%get3A_596] {strides = array<i32>} : memref<1600xi32, #tpu.memory_space<vmem>>, vector<16xi32>,
        %get3A_598 = vector.shape_cast %get3A_597 : vector<16xi32> to vector<16xi32>
        %add3A_599 = arith.addi %get3A_595, %get3A_598 : vector<16xi32>
        %swap3A_600 = arith.index_cast %multiple_of3A_592 : i32 to index
        %swap3A_601 = tpu.vector_load %arg9[%swap3A_600] {strides = array<i32>} : memref<1600xi32, #tpu.memory_space<vmem>>, vector<16xi32>,
        %swap3A_602 = vector.shape_cast %swap3A_601 : vector<16xi32> to vector<16xi32>
        %swap3A_603 = vector.shape_cast %add3A_599 : vector<16xi32> to vector<16xi32>
        tpu.vector_store %arg9[%swap3A_600], %swap3A_603 {strides = array<i32>} : memref<1600xi32, #tpu.memory_space<vmem>>, vector<16xi32>,
        %scan3A_604 = arith.constant 6 : i32
        %scan3A_605 = arith.addi %scan3A_485, %scan3A_604 : i32
        %mul3A_606 = arith.constant 1 : i32
        %mul3A_607 = arith.muli %scan3A_605, %mul3A_606 : i32
        %add3A_608 = arith.constant 0 : i32
        %add3A_609 = arith.addi %add3A_608, %mul3A_607 : i32
        %mul3A_610 = arith.constant 16 : i32
        %mul3A_611 = arith.muli %add3A_609, %mul3A_610 : i32
        %multiple_of3A_612 = tpu.assume_multiple %mul3A_611, 16 : i32
        %get3A_613 = arith.index_cast %multiple_of3A_612 : i32 to index
        %get3A_614 = tpu.vector_load %arg9[%get3A_613] {strides = array<i32>} : memref<1600xi32, #tpu.memory_space<vmem>>, vector<16xi32>,
        %get3A_615 = vector.shape_cast %get3A_614 : vector<16xi32> to vector<16xi32>
        %get3A_616 = arith.index_cast %multiple_of3A_612 : i32 to index
        %get3A_617 = tpu.vector_load %arg10[%get3A_616] {strides = array<i32>} : memref<1600xi32, #tpu.memory_space<vmem>>, vector<16xi32>,
        %get3A_618 = vector.shape_cast %get3A_617 : vector<16xi32> to vector<16xi32>
        %add3A_619 = arith.addi %get3A_615, %get3A_618 : vector<16xi32>
        %swap3A_620 = arith.index_cast %multiple_of3A_612 : i32 to index
        %swap3A_621 = tpu.vector_load %arg9[%swap3A_620] {strides = array<i32>} : memref<1600xi32, #tpu.memory_space<vmem>>, vector<16xi32>,
        %swap3A_622 = vector.shape_cast %swap3A_621 : vector<16xi32> to vector<16xi32>
        %swap3A_623 = vector.shape_cast %add3A_619 : vector<16xi32> to vector<16xi32>
        tpu.vector_store %arg9[%swap3A_620], %swap3A_623 {strides = array<i32>} : memref<1600xi32, #tpu.memory_space<vmem>>, vector<16xi32>,
        %scan3A_624 = arith.constant 7 : i32
        %scan3A_625 = arith.addi %scan3A_485, %scan3A_624 : i32
        %mul3A_626 = arith.constant 1 : i32
        %mul3A_627 = arith.muli %scan3A_625, %mul3A_626 : i32
        %add3A_628 = arith.constant 0 : i32
        %add3A_629 = arith.addi %add3A_628, %mul3A_627 : i32
        %mul3A_630 = arith.constant 16 : i32
        %mul3A_631 = arith.muli %add3A_629, %mul3A_630 : i32
        %multiple_of3A_632 = tpu.assume_multiple %mul3A_631, 16 : i32
        %get3A_633 = arith.index_cast %multiple_of3A_632 : i32 to index
        %get3A_634 = tpu.vector_load %arg9[%get3A_633] {strides = array<i32>} : memref<1600xi32, #tpu.memory_space<vmem>>, vector<16xi32>,
        %get3A_635 = vector.shape_cast %get3A_634 : vector<16xi32> to vector<16xi32>
        %get3A_636 = arith.index_cast %multiple_of3A_632 : i32 to index
        %get3A_637 = tpu.vector_load %arg10[%get3A_636] {strides = array<i32>} : memref<1600xi32, #tpu.memory_space<vmem>>, vector<16xi32>,
        %get3A_638 = vector.shape_cast %get3A_637 : vector<16xi32> to vector<16xi32>
        %add3A_639 = arith.addi %get3A_635, %get3A_638 : vector<16xi32>
        %swap3A_640 = arith.index_cast %multiple_of3A_632 : i32 to index
        %swap3A_641 = tpu.vector_load %arg9[%swap3A_640] {strides = array<i32>} : memref<1600xi32, #tpu.memory_space<vmem>>, vector<16xi32>,
        %swap3A_642 = vector.shape_cast %swap3A_641 : vector<16xi32> to vector<16xi32>
        %swap3A_643 = vector.shape_cast %add3A_639 : vector<16xi32> to vector<16xi32>
        tpu.vector_store %arg9[%swap3A_640], %swap3A_643 {strides = array<i32>} : memref<1600xi32, #tpu.memory_space<vmem>>, vector<16xi32>,
      }
      %scan3A_391 = arith.constant 96 : i32
      %scan3A_392 = arith.addi %scan3A_387, %scan3A_391 : i32
      %mul3A_393 = arith.constant 1 : i32
      %mul3A_394 = arith.muli %scan3A_392, %mul3A_393 : i32
      %add3A_395 = arith.constant 0 : i32
      %add3A_396 = arith.addi %add3A_395, %mul3A_394 : i32
      %mul3A_397 = arith.constant 16 : i32
      %mul3A_398 = arith.muli %add3A_396, %mul3A_397 : i32
      %multiple_of3A_399 = tpu.assume_multiple %mul3A_398, 16 : i32
      %get3A_400 = arith.index_cast %multiple_of3A_399 : i32 to index
      %get3A_401 = tpu.vector_load %arg9[%get3A_400] {strides = array<i32>} : memref<1600xi32, #tpu.memory_space<vmem>>, vector<16xi32>,
      %get3A_402 = vector.shape_cast %get3A_401 : vector<16xi32> to vector<16xi32>
      %get3A_403 = arith.index_cast %multiple_of3A_399 : i32 to index
      %get3A_404 = tpu.vector_load %arg10[%get3A_403] {strides = array<i32>} : memref<1600xi32, #tpu.memory_space<vmem>>, vector<16xi32>,
      %get3A_405 = vector.shape_cast %get3A_404 : vector<16xi32> to vector<16xi32>
      %add3A_406 = arith.addi %get3A_402, %get3A_405 : vector<16xi32>
      %swap3A_407 = arith.index_cast %multiple_of3A_399 : i32 to index
      %swap3A_408 = tpu.vector_load %arg9[%swap3A_407] {strides = array<i32>} : memref<1600xi32, #tpu.memory_space<vmem>>, vector<16xi32>,
      %swap3A_409 = vector.shape_cast %swap3A_408 : vector<16xi32> to vector<16xi32>
      %swap3A_410 = vector.shape_cast %add3A_406 : vector<16xi32> to vector<16xi32>
      tpu.vector_store %arg9[%swap3A_407], %swap3A_410 {strides = array<i32>} : memref<1600xi32, #tpu.memory_space<vmem>>, vector<16xi32>,
      %scan3A_411 = arith.constant 97 : i32
      %scan3A_412 = arith.addi %scan3A_387, %scan3A_411 : i32
      %mul3A_413 = arith.constant 1 : i32
      %mul3A_414 = arith.muli %scan3A_412, %mul3A_413 : i32
      %add3A_415 = arith.constant 0 : i32
      %add3A_416 = arith.addi %add3A_415, %mul3A_414 : i32
      %mul3A_417 = arith.constant 16 : i32
      %mul3A_418 = arith.muli %add3A_416, %mul3A_417 : i32
      %multiple_of3A_419 = tpu.assume_multiple %mul3A_418, 16 : i32
      %get3A_420 = arith.index_cast %multiple_of3A_419 : i32 to index
      %get3A_421 = tpu.vector_load %arg9[%get3A_420] {strides = array<i32>} : memref<1600xi32, #tpu.memory_space<vmem>>, vector<16xi32>,
      %get3A_422 = vector.shape_cast %get3A_421 : vector<16xi32> to vector<16xi32>
      %get3A_423 = arith.index_cast %multiple_of3A_419 : i32 to index
      %get3A_424 = tpu.vector_load %arg10[%get3A_423] {strides = array<i32>} : memref<1600xi32, #tpu.memory_space<vmem>>, vector<16xi32>,
      %get3A_425 = vector.shape_cast %get3A_424 : vector<16xi32> to vector<16xi32>
      %add3A_426 = arith.addi %get3A_422, %get3A_425 : vector<16xi32>
      %swap3A_427 = arith.index_cast %multiple_of3A_419 : i32 to index
      %swap3A_428 = tpu.vector_load %arg9[%swap3A_427] {strides = array<i32>} : memref<1600xi32, #tpu.memory_space<vmem>>, vector<16xi32>,
      %swap3A_429 = vector.shape_cast %swap3A_428 : vector<16xi32> to vector<16xi32>
      %swap3A_430 = vector.shape_cast %add3A_426 : vector<16xi32> to vector<16xi32>
      tpu.vector_store %arg9[%swap3A_427], %swap3A_430 {strides = array<i32>} : memref<1600xi32, #tpu.memory_space<vmem>>, vector<16xi32>,
      %scan3A_431 = arith.constant 98 : i32
      %scan3A_432 = arith.addi %scan3A_387, %scan3A_431 : i32
      %mul3A_433 = arith.constant 1 : i32
      %mul3A_434 = arith.muli %scan3A_432, %mul3A_433 : i32
      %add3A_435 = arith.constant 0 : i32
      %add3A_436 = arith.addi %add3A_435, %mul3A_434 : i32
      %mul3A_437 = arith.constant 16 : i32
      %mul3A_438 = arith.muli %add3A_436, %mul3A_437 : i32
      %multiple_of3A_439 = tpu.assume_multiple %mul3A_438, 16 : i32
      %get3A_440 = arith.index_cast %multiple_of3A_439 : i32 to index
      %get3A_441 = tpu.vector_load %arg9[%get3A_440] {strides = array<i32>} : memref<1600xi32, #tpu.memory_space<vmem>>, vector<16xi32>,
      %get3A_442 = vector.shape_cast %get3A_441 : vector<16xi32> to vector<16xi32>
      %get3A_443 = arith.index_cast %multiple_of3A_439 : i32 to index
      %get3A_444 = tpu.vector_load %arg10[%get3A_443] {strides = array<i32>} : memref<1600xi32, #tpu.memory_space<vmem>>, vector<16xi32>,
      %get3A_445 = vector.shape_cast %get3A_444 : vector<16xi32> to vector<16xi32>
      %add3A_446 = arith.addi %get3A_442, %get3A_445 : vector<16xi32>
      %swap3A_447 = arith.index_cast %multiple_of3A_439 : i32 to index
      %swap3A_448 = tpu.vector_load %arg9[%swap3A_447] {strides = array<i32>} : memref<1600xi32, #tpu.memory_space<vmem>>, vector<16xi32>,
      %swap3A_449 = vector.shape_cast %swap3A_448 : vector<16xi32> to vector<16xi32>
      %swap3A_450 = vector.shape_cast %add3A_446 : vector<16xi32> to vector<16xi32>
      tpu.vector_store %arg9[%swap3A_447], %swap3A_450 {strides = array<i32>} : memref<1600xi32, #tpu.memory_space<vmem>>, vector<16xi32>,
      %scan3A_451 = arith.constant 99 : i32
      %scan3A_452 = arith.addi %scan3A_387, %scan3A_451 : i32
      %mul3A_453 = arith.constant 1 : i32
      %mul3A_454 = arith.muli %scan3A_452, %mul3A_453 : i32
      %add3A_455 = arith.constant 0 : i32
      %add3A_456 = arith.addi %add3A_455, %mul3A_454 : i32
      %mul3A_457 = arith.constant 16 : i32
      %mul3A_458 = arith.muli %add3A_456, %mul3A_457 : i32
      %multiple_of3A_459 = tpu.assume_multiple %mul3A_458, 16 : i32
      %get3A_460 = arith.index_cast %multiple_of3A_459 : i32 to index
      %get3A_461 = tpu.vector_load %arg9[%get3A_460] {strides = array<i32>} : memref<1600xi32, #tpu.memory_space<vmem>>, vector<16xi32>,
      %get3A_462 = vector.shape_cast %get3A_461 : vector<16xi32> to vector<16xi32>
      %get3A_463 = arith.index_cast %multiple_of3A_459 : i32 to index
      %get3A_464 = tpu.vector_load %arg10[%get3A_463] {strides = array<i32>} : memref<1600xi32, #tpu.memory_space<vmem>>, vector<16xi32>,
      %get3A_465 = vector.shape_cast %get3A_464 : vector<16xi32> to vector<16xi32>
      %add3A_466 = arith.addi %get3A_462, %get3A_465 : vector<16xi32>
      %swap3A_467 = arith.index_cast %multiple_of3A_459 : i32 to index
      %swap3A_468 = tpu.vector_load %arg9[%swap3A_467] {strides = array<i32>} : memref<1600xi32, #tpu.memory_space<vmem>>, vector<16xi32>,
      %swap3A_469 = vector.shape_cast %swap3A_468 : vector<16xi32> to vector<16xi32>
      %swap3A_470 = vector.shape_cast %add3A_466 : vector<16xi32> to vector<16xi32>
      tpu.vector_store %arg9[%swap3A_467], %swap3A_470 {strides = array<i32>} : memref<1600xi32, #tpu.memory_space<vmem>>, vector<16xi32>,
      %scan3A_471 = arith.constant 100 : i32
      %ge3A_472 = arith.constant 2 : i32
      %ge3A_473 = arith.cmpi sge, %add3A_374, %ge3A_472 : i32
      %convert_element_type3A_474 = arith.extui %ge3A_473 : i1 to i32
      %cond3A_475 = arith.constant 0 : i32
      %cond3A_476 = arith.cmpi ne, %convert_element_type3A_474, %cond3A_475 : i32
      scf.if %cond3A_476 {
        %mul3A_485 = arith.constant 1600 : i32
        %mul3A_486 = arith.muli %add3A_374, %mul3A_485 : i32
        %add3A_487 = arith.addi %mul3A_2, %mul3A_486 : i32
        %dma_wait3A_488 = arith.constant 0 : i32
        %dma_wait3A_489 = tpu.memref_slice %arg5[%add3A_487, %dma_wait3A_488] : memref<1638400x16xf32, #tpu.memory_space<hbm>> -> memref<1600x16xf32, #tpu.memory_space<hbm>>
        %dma_wait3A_490 = arith.constant 0 : i32
        %dma_wait3A_491 = tpu.memref_slice %arg5[%add3A_487, %dma_wait3A_490] : memref<1638400x16xf32, #tpu.memory_space<hbm>> -> memref<1600x16xf32, #tpu.memory_space<hbm>>
        tpu.wait_dma2 semaphore(%arg19 : memref<!tpu.dma_semaphore, #tpu.memory_space<semaphore_mem>>) src(%arg12 : memref<1600x16xf32, #tpu.memory_space<vmem>>) dst(%dma_wait3A_491 : memref<1600x16xf32, #tpu.memory_space<hbm>>)
      } else {
      }
      %dma_start3A_477 = arith.constant 0 : i32
      %dma_start3A_478 = arith.constant 0 : i32
      %dma_start3A_479 = tpu.memref_slice %arg13[%dma_start3A_477, %dma_start3A_478] : memref<1600x16xf32, #tpu.memory_space<vmem_shared>> -> memref<1600x16xf32, #tpu.memory_space<vmem_shared>>
      tpu.enqueue_indirect_dma source(%dma_start3A_479 : memref<1600x16xf32, #tpu.memory_space<vmem_shared>>) target(%arg12 : memref<1600x16xf32, #tpu.memory_space<vmem>>) offsets(%arg9 : memref<1600xi32, #tpu.memory_space<vmem>>) semaphore(%arg17 : memref<!tpu.dma_semaphore, #tpu.memory_space<semaphore_mem>>)
      %gt3A_480 = arith.constant 0 : i32
      %gt3A_481 = arith.cmpi sgt, %add3A_374, %gt3A_480 : i32
      %convert_element_type3A_482 = arith.extui %gt3A_481 : i1 to i32
      %cond3A_483 = arith.constant 0 : i32
      %cond3A_484 = arith.cmpi ne, %convert_element_type3A_482, %cond3A_483 : i32
      scf.if %cond3A_484 {
        %dma_wait3A_485 = arith.constant 0 : i32
        %dma_wait3A_486 = arith.constant 0 : i32
        %dma_wait3A_487 = tpu.memref_slice %arg13[%dma_wait3A_485, %dma_wait3A_486] : memref<1600x16xf32, #tpu.memory_space<vmem_shared>> -> memref<1600x16xf32, #tpu.memory_space<vmem_shared>>
        tpu.wait_indirect_dma semaphore(%arg16 : memref<!tpu.dma_semaphore, #tpu.memory_space<semaphore_mem>>) src(%dma_wait3A_487 : memref<1600x16xf32, #tpu.memory_space<vmem_shared>>) dst(%arg11 : memref<1600x16xf32, #tpu.memory_space<vmem>>)
        %sub3A = arith.constant 1 : i32
        %sub3A_488 = arith.subi %add3A_374, %sub3A : i32
        %mul3A_489 = arith.constant 1600 : i32
        %mul3A_490 = arith.muli %sub3A_488, %mul3A_489 : i32
        %add3A_491 = arith.addi %mul3A_2, %mul3A_490 : i32
        %dma_start3A_492 = arith.constant 0 : i32
        %dma_start3A_493 = tpu.memref_slice %arg5[%add3A_491, %dma_start3A_492] : memref<1638400x16xf32, #tpu.memory_space<hbm>> -> memref<1600x16xf32, #tpu.memory_space<hbm>>
        %dma_start3A_494 = arith.constant 0 : i32
        %dma_start3A_495 = tpu.memref_slice %arg5[%add3A_491, %dma_start3A_494] : memref<1638400x16xf32, #tpu.memory_space<hbm>> -> memref<1600x16xf32, #tpu.memory_space<hbm>>
        tpu.enqueue_dma source(%arg11 : memref<1600x16xf32, #tpu.memory_space<vmem>>) target(%dma_start3A_495 : memref<1600x16xf32, #tpu.memory_space<hbm>>) target_semaphore(%arg18 : memref<!tpu.dma_semaphore, #tpu.memory_space<semaphore_mem>>)
      } else {
      }
    }
    %scan3A_9 = arith.constant 8 : i32
    %dma_wait3A = arith.constant 0 : i32
    %dma_wait3A_10 = arith.constant 0 : i32
    %dma_wait3A_11 = tpu.memref_slice %arg13[%dma_wait3A, %dma_wait3A_10] : memref<1600x16xf32, #tpu.memory_space<vmem_shared>> -> memref<1600x16xf32, #tpu.memory_space<vmem_shared>>
    tpu.wait_indirect_dma semaphore(%arg17 : memref<!tpu.dma_semaphore, #tpu.memory_space<semaphore_mem>>) src(%dma_wait3A_11 : memref<1600x16xf32, #tpu.memory_space<vmem_shared>>) dst(%arg12 : memref<1600x16xf32, #tpu.memory_space<vmem>>)
    %add3A_12 = arith.constant 49600 : i32
    %add3A_13 = arith.addi %mul3A_2, %add3A_12 : i32
    %dma_start3A_14 = arith.constant 0 : i32
    %dma_start3A_15 = tpu.memref_slice %arg5[%add3A_13, %dma_start3A_14] : memref<1638400x16xf32, #tpu.memory_space<hbm>> -> memref<1600x16xf32, #tpu.memory_space<hbm>>
    %dma_start3A_16 = arith.constant 0 : i32
    %dma_start3A_17 = tpu.memref_slice %arg5[%add3A_13, %dma_start3A_16] : memref<1638400x16xf32, #tpu.memory_space<hbm>> -> memref<1600x16xf32, #tpu.memory_space<hbm>>
    tpu.enqueue_dma source(%arg12 : memref<1600x16xf32, #tpu.memory_space<vmem>>) target(%dma_start3A_17 : memref<1600x16xf32, #tpu.memory_space<hbm>>) target_semaphore(%arg19 : memref<!tpu.dma_semaphore, #tpu.memory_space<semaphore_mem>>)
    %add3A_18 = arith.constant 0 : i32
    %add3A_19 = arith.addi %mul3A_2, %add3A_18 : i32
    %dma_wait3A_20 = arith.constant 0 : i32
    %dma_wait3A_21 = tpu.memref_slice %arg5[%add3A_19, %dma_wait3A_20] : memref<1638400x16xf32, #tpu.memory_space<hbm>> -> memref<1600x16xf32, #tpu.memory_space<hbm>>
    %dma_wait3A_22 = arith.constant 0 : i32
    %dma_wait3A_23 = tpu.memref_slice %arg5[%add3A_19, %dma_wait3A_22] : memref<1638400x16xf32, #tpu.memory_space<hbm>> -> memref<1600x16xf32, #tpu.memory_space<hbm>>
    tpu.wait_dma2 semaphore(%arg18 : memref<!tpu.dma_semaphore, #tpu.memory_space<semaphore_mem>>) src(%arg11 : memref<1600x16xf32, #tpu.memory_space<vmem>>) dst(%dma_wait3A_23 : memref<1600x16xf32, #tpu.memory_space<hbm>>)
    %add3A_24 = arith.constant 0 : i32
    %add3A_25 = arith.addi %mul3A_2, %add3A_24 : i32
    %dma_wait3A_26 = arith.constant 0 : i32
    %dma_wait3A_27 = tpu.memref_slice %arg5[%add3A_25, %dma_wait3A_26] : memref<1638400x16xf32, #tpu.memory_space<hbm>> -> memref<1600x16xf32, #tpu.memory_space<hbm>>
    %dma_wait3A_28 = arith.constant 0 : i32
    %dma_wait3A_29 = tpu.memref_slice %arg5[%add3A_25, %dma_wait3A_28] : memref<1638400x16xf32, #tpu.memory_space<hbm>> -> memref<1600x16xf32, #tpu.memory_space<hbm>>
    tpu.wait_dma2 semaphore(%arg19 : memref<!tpu.dma_semaphore, #tpu.memory_space<semaphore_mem>>) src(%arg12 : memref<1600x16xf32, #tpu.memory_space<vmem>>) dst(%dma_wait3A_29 : memref<1600x16xf32, #tpu.memory_space<hbm>>)
    return
  }
}

</mosaic_0001>

<sc_bundles>
// kernel: kernel.3.cloned.1.call-start
scs
__scs_entry_jumppad:
0x0: {  	(pc) =	sbr.rel $0x88, $3  }
0x1: {  	(tag) =	ssettag $0x0;
	lr =	simm.s32 $0x1  }
0x2: {  	[smem:$0x3F9F] =	sst lr;
	_ =	strace $0xD0000000  }
0x3: {  	_ = 	snop  }
0x4: {  	_ = 	snop  }
0x5: {  	_ = 	snop  }
0x6: {  	_ = 	snop  }
0x7: {  	_ = 	snop  }
__scs_overlays_trampoline_lowered:
0x8: {  	[smem:$0x3FAE] =	sst s0  }
0x9: {  	[smem:$0x3FAF] =	sst s1  }
0xa: {  	[smem:$0x3FB0] =	sst s2  }
0xb: {  	[smem:$0x3FB1] =	sst s3  }
0xc: {  	[smem:$0x3FB2] =	sst s4  }
0xd: {  	[smem:$0x3FB3] =	sst s5  }
0xe: {  	[smem:$0x3FB4] =	sst s6  }
0xf: {  	[smem:$0x3FB5] =	sst s7  }
0x10: {  	[smem:$0x3FB6] =	sst s8  }
0x11: {  	[smem:$0x3FB7] =	sst s9;
	s0 =	simm.s32 @!p0 $0x0  }
0x12: {  	s1 =	sld [smem:$0x3F9D];
	s0 =	simm.s32 @p0 $0x1  }
0x13: {  	[smem:$0x3FB8] =	sst s0;
	s0 =	simm.s32 @!p1 $0x0  }
0x14: {  	s2 =	sld [smem:$0x3F9C];
	s0 =	simm.s32 @p1 $0x1  }
0x15: {  	[smem:$0x3FB9] =	sst s0;
	s0 =	simm.s32 @!p2 $0x0  }
0x16: {  	s3 =	sld [smem:$0x3FDB];
	s0 =	simm.s32 @p2 $0x1  }
0x17: {  	s4 =	simm.s32 $0x1BF5;
	[smem:$0x3FBB] =	sst s0  }
0x18: {  	s0 =	sld [smem:$0x3F9E];
	_ =	swait.ge [sflag:s4], $0x0  }
0x19: {  	s7 =	sld [smem:$0x3F9F]  }
0x1a: {  	s8 =	sadd.s32 $0xFFFFE003, lr  }
0x1b: {  	s9 =	sadd.s32 $0xFFFFFEF7, lr;
	s5 =	simm.s32 $0xFFFFFFFF;
	p2 =	slt.u32 s8, $0xFFFFF086  }
0x1c: {  	p1 =	slt.u32 s9, $0xF7A;
	s5 =	simm.s32 @!p2 $0x0  }
0x1d: {  	s5 =	simm.s32 @p1 $0x1;
	p0 =	seq.s32 s7, s2  }
0x1e: {  	s7 =	smul.u32 @!p0 $0xF7A, s2;
	p2 =	seq.s32 @!p0 s5, $0x0  }
0x1f: {  	s9 =	smul.u32 $0xF7A, s1;
	s8 =	simm.s32 @!p0 $0x1BF5;
	p2 =	por !p2, p0  }
0x20: {  	[sflag:s8] =	ssyncset.s32 @!p0 $0xFFFFF086;
	s6 =	sadd.s32 @!p0 s3, s7;
	s7 =	simm.s32 @!p0 $0x108  }
0x21: {  	s3 =	sadd.s32 s3, s9;
	s6 =	sadd.s32 @!p0 $0x88, s6;
	s7 =	simm.s32 @p2 $0x1082  }
0x22: {  	[simem:s7], [sflag:s8] =	dma.local @!p0 [hbm:s6], $0xF7A  }
0x23: {  	s9 =	sor.u32 $0xD0000000, s2;
	s6 =	simm.s32 $0x108;
	_ =	swait.ge @!p0 [sflag:s8], $0x0  }
0x24: {  	s3 =	sadd.s32 $0x88, s3;
	s6 =	simm.s32 @!p1 $0x1082;
	[sflag:s4] =	ssyncset.s32 $0xFFFFF086  }
0x25: {  	[simem:s6], [sflag:s4] =	dma.local [hbm:s3], $0xF7A  }
0x26: {  	[smem:$0x3F9F] =	sst s1;
	(tag) =	ssettag s2;
	_ =	strace s9  }
0x27: {  	s1 =	sld [smem:$0x3FAF]  }
0x28: {  	s2 =	sld [smem:$0x3FB0]  }
0x29: {  	s4 =	sld [smem:$0x3FB2]  }
0x2a: {  	p0 =	seq.s32 s5, $0x0;
	s5 =	sld [smem:$0x3FB3]  }
0x2b: {  	s6 =	sld [smem:$0x3FB4]  }
0x2c: {  	s7 =	sld [smem:$0x3FB5]  }
0x2d: {  	s3 =	simm.s32 $0x108;
	s8 =	sld [smem:$0x3FB6]  }
0x2e: {  	s3 =	simm.s32 @!p0 $0x1082;
	s9 =	sld [smem:$0x3FB7]  }
0x2f: {  	lr =	sadd.s32 s0, s3;
	s0 =	sld [smem:$0x3FAE]  }
0x30: {  	s3 =	sld [smem:$0x3FB1]  }
0x31: {  	[smem:$0x3FBA] =	sst s10  }
0x32: {  	s10 =	sld [smem:$0x3FB8];
	_ =	sdelay $0x3  }
0x33: {  	p0 =	seq.s32 s10, $0x1;
	s10 =	sld [smem:$0x3FBA];
	_ =	sdelay $0x3  }
0x34: {  	[smem:$0x3FBA] =	sst s10  }
0x35: {  	s10 =	sld [smem:$0x3FB9];
	_ =	sdelay $0x3  }
0x36: {  	p1 =	seq.s32 s10, $0x1;
	s10 =	sld [smem:$0x3FBA];
	_ =	sdelay $0x3  }
0x37: {  	[smem:$0x3FBA] =	sst s10  }
0x38: {  	s10 =	sld [smem:$0x3FBB]  }
0x39: {  	_ = 	snop;
	(pc) =	sbr.ind lr, $3  }
0x3a: {  	_ = 	snop  }
0x3b: {  	_ = 	snop  }
0x3c: {  	p2 =	seq.s32 s10, $0x1;
	s10 =	sld [smem:$0x3FBA]  }
0x3d: {  	_ =	shalt  }
0x3e: {  	_ =	shalt  }
0x3f: {  	_ =	shalt  }
0x40: {  	_ =	shalt  }
0x41: {  	_ =	shalt  }
0x42: {  	_ =	shalt  }
0x43: {  	_ =	shalt  }
0x44: {  	_ =	shalt  }
0x45: {  	_ =	shalt  }
0x46: {  	_ =	shalt  }
0x47: {  	_ =	shalt  }
0x48: {  	_ =	shalt  }
0x49: {  	_ =	shalt  }
0x4a: {  	_ =	shalt  }
0x4b: {  	_ =	shalt  }
0x4c: {  	_ =	shalt  }
0x4d: {  	_ =	shalt  }
0x4e: {  	_ =	shalt  }
0x4f: {  	_ =	shalt  }
0x50: {  	_ =	shalt  }
0x51: {  	_ =	shalt  }
0x52: {  	_ =	shalt  }
0x53: {  	_ =	shalt  }
0x54: {  	_ =	shalt  }
0x55: {  	_ =	shalt  }
0x56: {  	_ =	shalt  }
0x57: {  	_ =	shalt  }
0x58: {  	_ =	shalt  }
0x59: {  	_ =	shalt  }
0x5a: {  	_ =	shalt  }
0x5b: {  	_ =	shalt  }
0x5c: {  	_ =	shalt  }
0x5d: {  	_ =	shalt  }
0x5e: {  	_ =	shalt  }
0x5f: {  	_ =	shalt  }
0x60: {  	_ =	shalt  }
0x61: {  	_ =	shalt  }
0x62: {  	_ =	shalt  }
0x63: {  	_ =	shalt  }
0x64: {  	_ =	shalt  }
0x65: {  	_ =	shalt  }
0x66: {  	_ =	shalt  }
0x67: {  	_ =	shalt  }
0x68: {  	_ =	shalt  }
0x69: {  	_ =	shalt  }
0x6a: {  	_ =	shalt  }
0x6b: {  	_ =	shalt  }
0x6c: {  	_ =	shalt  }
0x6d: {  	_ =	shalt  }
0x6e: {  	_ =	shalt  }
0x6f: {  	_ =	shalt  }
0x70: {  	_ =	shalt  }
0x71: {  	_ =	shalt  }
0x72: {  	_ =	shalt  }
0x73: {  	_ =	shalt  }
0x74: {  	_ =	shalt  }
0x75: {  	_ =	shalt  }
0x76: {  	_ =	shalt  }
0x77: {  	_ =	shalt  }
0x78: {  	_ =	shalt  }
0x79: {  	_ =	shalt  }
0x7a: {  	_ =	shalt  }
0x7b: {  	_ =	shalt  }
0x7c: {  	_ =	shalt  }
0x7d: {  	_ =	shalt  }
0x7e: {  	_ =	shalt  }
0x7f: {  	_ =	shalt  }
0x80: {  	_ =	shalt  }
0x81: {  	_ =	shalt  }
0x82: {  	_ =	shalt  }
0x83: {  	_ =	shalt  }
0x84: {  	_ =	shalt  }
0x85: {  	_ =	shalt  }
0x86: {  	_ =	shalt  }
0x87: {  	_ =	shalt  }
.Lfunc_end0:
.L_simem_size_0:
called_computation.1_lowered:
.L_overlay_start_0:
0x88: {  	s2 =	sld [smem:$0x3FD9]  }
0x89: {  	s3 =	sld [smem:$0x3FFE];
	_ =	sdelay $0x1  }
0x8a: {  	s1 =	srdreg.scid  }
0x8b: {  	s0 =	sand.u32 $0x1, s1  }
0x8c: {  	s17 =	sshll.u32 s0, $0xA;
	s2 =	sadd.s32 s3, s2  }
0x8d: {  	s2 =	sadd.s32 s2, s17  }
0x8e: {  	[smem:$0x3FC6] =	sst s2  }
0x8f: {  	_ = 	snop  }
0x90: {  	s2 =	sld [smem:$0x3FD0];
	(tm) =	ssettm $0x1  }
0x91: {  	s18 =	sld [smem:$0x3FFB];
	_ =	sdelay $0x3  }
0x92: {  	_ =	strace s18  }
0x93: {  	s3 =	sld [smem:$0x3FFC];
	_ =	sdelay $0x3  }
0x94: {  	_ =	strace s3  }
0x95: {  	s3 =	sld [smem:$0x3FFD];
	_ =	sdelay $0x3  }
0x96: {  	_ =	strace s3  }
0x97: {  	_ =	strace $0x8FFFFFFF  }
0x98: {  	s19 =	sld [smem:$0x3FDB];
	_ =	sdelay $0x1  }
0x99: {  	s4 =	simm.s32 $_scs_section_size  }
0x9a: {  	s5 =	simm.s32 $_size__tile_overlayer_lowered;
	s6 =	simm.s32 $_tile_overlayer_lowered  }
0x9b: {  	s22 =	simm.s32 $0x1BFF;
	s21 =	sshll.u32 s6, $0x1;
	s3 =	sadd.s32 s4, s19  }
0x9c: {  	s7 =	simm.s32 $0x0;
	s20 =	sshll.u32 s5, $0x1;
	s5 =	sadd.s32 s21, s3  }
0x9d: {  	[timem:s7], [sflag:s22] =	dma.local [hbm:s5], s20  }
0x9e: {  	_ =	swait.ge [sflag:s22], s20  }
0x9f: {  	s4 =	ssub.s32 $0x0, s20;
	[sflag:s22] =	ssyncset.done $0x0  }
0xa0: {  	[sflag:s22] =	ssyncadd.s32 s4;
	_ =	sdelay $0x1  }
0xa1: {  	s23 =	simm.s32 $0x1B8B  }
0xa2: {  	_ =	swait.ge [sflag:s23], $0x1  }
0xa3: {  	[sflag:s23] =	ssyncset.done $0x0  }
0xa4: {  	s25 =	simm.s32 $0x1B8E;
	s24 =	sld [smem:$0x3FFE];
	[sflag:s23] =	ssyncadd.s32 $0xFFFFFFFF  }
0xa5: {  	s26 =	simm.s32 $execute0_lowered;
	[smem:$0x3FD2] =	sst s25  }
0xa6: {  	s5 =	sshll.u32 s26, $0x1;
	_ =	strace $0x80000046;
	[dreg:$0x1] =	wrdreg $0xFFFFFFFF  }
0xa7: {  	s28 =	simm.s32 $_size_execute0_lowered;
	s3 =	sadd.s32 s3, s5;
	[dreg:$0x0] =	wrdreg $0x0  }
0xa8: {  	s5 =	sshll.u32 s28, $0x1;
	[dreg:$0x2] =	wrdreg s3  }
0xa9: {  	[dreg:$0x3] =	wrdreg s5  }
0xaa: {  	[dreg:$0x4] =	wrdreg $0xC0  }
0xab: {  	_ =	task [dreg:s7], $0x5FFFF  }
0xac: {  	[dreg:$0x1] =	wrdreg $0xFFFFFFFF  }
0xad: {  	[dreg:$0x0] =	wrdreg $0x60  }
0xae: {  	[dreg:$0x2] =	wrdreg s24  }
0xaf: {  	[dreg:$0x3] =	wrdreg s2  }
0xb0: {  	[dreg:$0x4] =	wrdreg $0xE7400  }
0xb1: {  	[dreg:$0x5] =	wrdreg $0x9  }
0xb2: {  	_ =	task.clear_ibuf [dreg:s7], $0x6FFFF;
	_ =	strace $0x90000046  }
0xb3: {  	s29 =	simm.s32 $0x9;
	_ =	strace $0x80000048  }
0xb4: {  	_ =	swait.ge [sflag:s29], $0x1  }
0xb5: {  	[sflag:s29] =	ssyncadd.s32 $0xFFFFFFFF  }
0xb6: {  	_ =	strace $0x90000048  }
0xb7: {  	_ =	sfence  }
0xb8: {  	s30 =	sld [smem:$0x0];
	_ =	sdelay $0x2  }
0xb9: {  	s31 =	sshll.u32 s1, $0xD;
	s1 =	sshrl.u32 s1, $0x2  }
0xba: {  	s3 =	sand.u32 $0x4000, s31;
	s1 =	sadd.s32 s1, s30  }
0xbb: {  	s0 =	sor.u32 s3, s0;
	s1 =	sshll.u32 s1, $0x11  }
0xbc: {  	s0 =	sor.u32 s1, s0  }
0xbd: {  	s0 =	sadd.s32 $0x8F2B, s0  }
0xbe: {  	[sflag:s0] =	ssyncadd.remote.s32 $0x1  }
0xbf: {  	_ =	sfence.sel $0xFFFF  }
0xc0: {  	[dreg:$0x0] =	wrdreg $0xFFFFFFFF;
	(pc) =	sbr.abs _section_cstart, $3  }
0xc1: {  	[dreg:$0x1] =	wrdreg $0xFFFFFFFF  }
0xc2: {  	_ =	task.clear_ibuf [dreg:s7], $0x2FFFF;
	_ =	strace $0x9FFFFFFF  }
0xc3: {  	(tm) =	ssettm $0x7FFFFFFF  }
tec
execute0_lowered:
.L_overlay_start_1:
0x0: {  	(tag) =	ssettag $0x1  }
0x1: {  	s0 =	rddreg [dreg:$0x0]  }
0x2: {  	s1 =	rddreg [dreg:$0x1]  }
0x3: {  	s2 =	rddreg [dreg:$0x2]  }
0x4: {  	s4 =	srdreg.scid;
	s6 =	stileid.u32  }
0x5: {  	s3 =	simm.s32 $0x0;
	s19 =	simm.s32 $0x640;
	s20 =	simm.s32 $0x1  }
0x6: {  	s21 =	simm.s32 $0xC80;
	s28 =	simm.s32 $0x5;
	s29 =	simm.s32 $0x4  }
0x7: {  	s30 =	simm.s32 $0x6;
	s31 =	simm.s32 $0x0;
	s7 =	sand.u32 $0x1, s4  }
0x8: {  	s22 =	sshll.u32 s6, $0x1;
	[smem:$0x7FF] =	sst s3;
	s4 =	sadd.s32 $0x1800, s0  }
0x9: {  	s9 =	sadd.s32 $0x800, s0;
	s0 =	sadd.s32 $0xA00, s0;
	p0 =	sne.s32 s6, $0x0  }
0xa: {  	s8 =	sor.u32 s7, s22;
	_ =	strace $0x80000047;
	[dreg:$0x4] =	wrdreg s9  }
0xb: {  	[dreg:$0x5] =	wrdreg s0;
	s23 =	ssub.s32 $0x2, s7;
	s5 =	smul.u32 $0xC800, s8  }
0xc: {  	s22 =	simm.s32 $0x2;
	s7 =	sshrl.u32 s23, $0x1;
	s8 =	smul.u32 $0xC8000, s8  }
0xd: {  	s0 =	ssub.s32 s23, s7;
	s23 =	simm.s32 $0x8340;
	s24 =	sshrl.u32 s5, $0x3  }
0xe: {  	s9 =	sor.u32 $0x640, s5;
	s10 =	sadd.s32 $0xFFFF9C0, s5;
	s11 =	sadd.s32 $0xC80, s5  }
0xf: {  	s26 =	sshrl.u32 s8, $0x3;
	s12 =	sadd.s32 $0x12C0, s5;
	s0 =	smax.u32 s0, $0x1  }
0x10: {  	s13 =	sadd.s32 $0x1900, s5;
	s25 =	sadd.s32 s4, s24;
	[dreg:$0x8] =	wrdreg s0  }
0x11: {  	s7 =	sadd.s32 s1, s26;
	s0 =	sshrl.u32 @!p0 s2, $0x3;
	[dreg:$0x6] =	wrdreg s25  }
0x12: {  	s24 =	simm.s32 $0x3;
	s7 =	sadd.s32 $0x18380, s7;
	[dreg:$0x9] =	wrdreg s0  }
0x13: {  	s26 =	simm.s32 $0x12C0;
	s25 =	simm.s32 $0x1F40;
	[dreg:$0x7] =	wrdreg s7  }
.LBB2_1:
0x14: {  	s0 =	rddreg [dreg:$0x4];
	s6 =	simm.s32 $0x1900;
	s17 =	simm.s32 $0x7  }
0x15: {  	[tilespmem:s6], [sflag:$0x7] =	stream.linear.gather [hbm4b:s0+s3], $0x640, $0x38;
	[tilespmem:$0xED80] =	vst v63  }
0x16: {  	_ =	swait.ge [sflag:s17], $0x640  }
0x17: {  	[sflag:s17] =	ssyncset.done $0x0;
	s6 =	rddreg [dreg:$0x5]  }
0x18: {  	s0 =	simm.s32 @!p0 $0x1C07;
	s7 =	rddreg [dreg:$0x9];
	[sflag:s17] =	ssyncadd.s32 $0xFFFFF9C0  }
0x19: {  	[spmem:s7], [sflag:s0] =	dma.local @!p0 [hbm:s6], $0xC80  }
0x1a: {  	s0 =	simm.s32 @!p0 $0x7  }
0x1b: {  	_ =	swait.ge @!p0 [sflag:s0], $0xC80  }
0x1c: {  	[sflag:s0] =	ssyncset.done @!p0 $0x0  }
0x1d: {  	[sflag:s0] =	ssyncadd.s32 @!p0 $0xFFFFF380  }
0x1e: {  	[bflag:$0x0] =	sbarrier.arrive $0xFFFF  }
0x1f: {  	s0 =	simm.s32 $0x0;
	s18 =	rddreg [dreg:$0x6]  }
0x20: {  	[tilespmem:s3], [sflag:$0x1] =	stream.linear.gather [hbm4b:s18+s3], $0x640, $0x38;
	[tilespmem:$0xED80] =	vst v63  }
.LBB2_2:
0x21: {  	s16 =	smul.u32 $0x1900, s0;
	_ =	sdelay $0x1  }
0x22: {  	s6 =	sadd.s32 s16, s9  }
0x23: {  	s7 =	sshrl.u32 s6, $0x3  }
0x24: {  	s7 =	sadd.s32 s4, s7  }
0x25: {  	[tilespmem:s19], [sflag:$0x2] =	stream.linear.gather [hbm4b:s7+s3], $0x640, $0x38;
	[tilespmem:$0xED80] =	vst v63  }
0x26: {  	_ =	swait.ge [sflag:s20], $0x640  }
0x27: {  	[sflag:s20] =	ssyncset.done $0x0  }
0x28: {  	s7 =	simm.s32 $0x40;
	[sflag:s20] =	ssyncadd.s32 $0xFFFFF9C0  }
0x29: {  	s8 =	simm.s32 $0x1940;
	v0 =	vld [tilespmem:s7+$0xFFFFFFC0]  }
0x2a: {  	v1 =	vld [tilespmem:s8+$0xFFFFFFC0];
	_ =	sdelay $0x4  }
0x2b: {  	v0 =	vadd.s32 v0, v1  }
0x2c: {  	[tilespmem:s7+$0xFFFFFFC0] =	vst v0;
	v0 =	vld [tilespmem:s7+$0xFFFFFFD0]  }
0x2d: {  	v1 =	vld [tilespmem:s8+$0xFFFFFFD0];
	_ =	sdelay $0x4  }
0x2e: {  	v0 =	vadd.s32 v0, v1  }
0x2f: {  	[tilespmem:s7+$0xFFFFFFD0] =	vst v0;
	v0 =	vld [tilespmem:s7+$0xFFFFFFE0]  }
0x30: {  	v1 =	vld [tilespmem:s8+$0xFFFFFFE0];
	_ =	sdelay $0x4  }
0x31: {  	v0 =	vadd.s32 v0, v1  }
0x32: {  	[tilespmem:s7+$0xFFFFFFE0] =	vst v0;
	v0 =	vld [tilespmem:s7+$0xFFFFFFF0]  }
0x33: {  	v1 =	vld [tilespmem:s8+$0xFFFFFFF0];
	_ =	sdelay $0x4  }
0x34: {  	v0 =	vadd.s32 v0, v1  }
0x35: {  	[tilespmem:s7+$0xFFFFFFF0] =	vst v0;
	v0 =	vld [tilespmem:s7+$0x0]  }
0x36: {  	v1 =	vld [tilespmem:s8+$0x0];
	_ =	sdelay $0x4  }
0x37: {  	v0 =	vadd.s32 v0, v1  }
0x38: {  	[tilespmem:s7+$0x0] =	vst v0;
	v0 =	vld [tilespmem:s7+$0x10]  }
0x39: {  	v1 =	vld [tilespmem:s8+$0x10];
	_ =	sdelay $0x4  }
0x3a: {  	v0 =	vadd.s32 v0, v1  }
0x3b: {  	[tilespmem:s7+$0x10] =	vst v0;
	v0 =	vld [tilespmem:s7+$0x20]  }
0x3c: {  	v1 =	vld [tilespmem:s8+$0x20];
	_ =	sdelay $0x4  }
0x3d: {  	v0 =	vadd.s32 v0, v1  }
0x3e: {  	[tilespmem:s7+$0x20] =	vst v0;
	v0 =	vld [tilespmem:s7+$0x30]  }
0x3f: {  	v1 =	vld [tilespmem:s8+$0x30];
	_ =	sdelay $0x4  }
0x40: {  	s14 =	simm.s32 $0x0;
	s15 =	simm.s32 $0xC0;
	v0 =	vadd.s32 v0, v1  }
.LBB2_3:
0x41: {  	v1 =	vld [tilespmem:s15+$0xFFFFFFC0];
	[tilespmem:s7+$0x30] =	vst v0;
	s8 =	sadd.s32 $0x80, s8;
	s7 =	smov.u32 s15  }
0x42: {  	s14 =	sadd.s32 $0x8, s14;
	v0 =	vld [tilespmem:s8+$0xFFFFFFC0]  }
0x43: {  	p1 =	slt.u32 s14, $0x58;
	_ =	sdelay $0x3  }
0x44: {  	v0 =	vadd.s32 v1, v0  }
0x45: {  	[tilespmem:s15+$0xFFFFFFC0] =	vst v0;
	v0 =	vld [tilespmem:s15+$0xFFFFFFD0]  }
0x46: {  	v1 =	vld [tilespmem:s8+$0xFFFFFFD0];
	_ =	sdelay $0x4  }
0x47: {  	v0 =	vadd.s32 v0, v1  }
0x48: {  	[tilespmem:s15+$0xFFFFFFD0] =	vst v0;
	v0 =	vld [tilespmem:s15+$0xFFFFFFE0]  }
0x49: {  	v1 =	vld [tilespmem:s8+$0xFFFFFFE0];
	_ =	sdelay $0x4  }
0x4a: {  	v0 =	vadd.s32 v0, v1  }
0x4b: {  	[tilespmem:s15+$0xFFFFFFE0] =	vst v0;
	v0 =	vld [tilespmem:s15+$0xFFFFFFF0]  }
0x4c: {  	v1 =	vld [tilespmem:s8+$0xFFFFFFF0];
	_ =	sdelay $0x4  }
0x4d: {  	v0 =	vadd.s32 v0, v1  }
0x4e: {  	[tilespmem:s15+$0xFFFFFFF0] =	vst v0;
	v0 =	vld [tilespmem:s15+$0x0]  }
0x4f: {  	v1 =	vld [tilespmem:s8+$0x0];
	_ =	sdelay $0x4  }
0x50: {  	v0 =	vadd.s32 v0, v1  }
0x51: {  	[tilespmem:s15+$0x0] =	vst v0;
	v0 =	vld [tilespmem:s15+$0x10]  }
0x52: {  	v1 =	vld [tilespmem:s8+$0x10];
	_ =	sdelay $0x4  }
0x53: {  	v0 =	vadd.s32 v0, v1  }
0x54: {  	[tilespmem:s15+$0x10] =	vst v0;
	v0 =	vld [tilespmem:s15+$0x20]  }
0x55: {  	v1 =	vld [tilespmem:s8+$0x20];
	_ =	sdelay $0x4  }
0x56: {  	v0 =	vadd.s32 v0, v1  }
0x57: {  	[tilespmem:s15+$0x20] =	vst v0;
	v0 =	vld [tilespmem:s15+$0x30]  }
0x58: {  	v1 =	vld [tilespmem:s8+$0x30]  }
.Ltmp0:
0x59: {  	(pc) =	sbr.rel @p1 .LBB2_3-.Ltmp0, $2  }
0x5a: {  	_ =	sdelay $0x2  }
0x5b: {  	s15 =	sadd.s32 $0x80, s15;
	v0 =	vadd.s32 v0, v1  }
0x5c: {  	[tilespmem:s7+$0x30] =	vst v0  }
0x5d: {  	v0 =	vld [tilespmem:$0x600]  }
0x5e: {  	v1 =	vld [tilespmem:$0x1F00]  }
0x5f: {  	v2 =	vld [tilespmem:$0x610]  }
0x60: {  	v3 =	vld [tilespmem:$0x1F10]  }
0x61: {  	v4 =	vld [tilespmem:$0x620]  }
0x62: {  	v5 =	vld [tilespmem:$0x1F20]  }
0x63: {  	v6 =	vld [tilespmem:$0x630]  }
0x64: {  	v7 =	vld [tilespmem:$0x1F30];
	_ =	sdelay $0x1  }
0x65: {  	v0 =	vadd.s32 v0, v1  }
0x66: {  	[tilespmem:$0x600] =	vst v0;
	v0 =	vadd.s32 v2, v3  }
0x67: {  	[tilespmem:$0x610] =	vst v0;
	v0 =	vadd.s32 v4, v5  }
0x68: {  	p1 =	sne.s32 s0, $0x0;
	[tilespmem:$0x620] =	vst v0;
	v0 =	vadd.s32 v6, v7  }
0x69: {  	s7 =	simm.s32 @p1 $0x5;
	[tilespmem:$0x630] =	vst v0  }
0x6a: {  	_ =	swait.ge @p1 [sflag:s7], $0x6400  }
0x6b: {  	s8 =	simm.s32 @p1 $0x0;
	[sflag:s7] =	ssyncset.done @p1 $0x0  }
0x6c: {  	s14 =	simm.s32 @p1 $0x1F40;
	[sflag:s7] =	ssyncadd.s32 @p1 $0xFFFF9C00;
	s7 =	simm.s32 @p1 $0x640  }
0x6d: {  	[tilespmem:s14], [sflag:$0x3] =	stream.indirect.gather @p1 [spmem:s2], $0x10, s8, s7, $0xb8;
	[tilespmem:$0xED80] =	vst v63  }
0x6e: {  	s7 =	simm.s32 @p1 $0x4;
	s14 =	sadd.s32 @p1 s16, s10  }
0x6f: {  	_ =	swait.ge @p1 [sflag:s7], $0x6400;
	s14 =	sshll.u32 @p1 s14, $0x1  }
0x70: {  	[sflag:s7] =	ssyncset.done @p1 $0x0;
	s14 =	sand.u32 @p1 $0x1FFFFF80, s14  }
0x71: {  	[sflag:s7] =	ssyncadd.s32 @p1 $0xFFFF9C00;
	s7 =	sadd.s32 @p1 s1, s14;
	s14 =	simm.s32 @p1 $0x8340  }
0x72: {  	[hbm4b:s7+s8] =	stream.linear.scatter @p1 [tilespmem:s14], [sflag:$0x6], $0x6400, $0x38;
	[tilespmem:$0xED80] =	vst v63  }
0x73: {  	s7 =	simm.s32 @!p1 $0x640;
	s8 =	simm.s32 @!p1 $0x0;
	s14 =	simm.s32 @!p1 $0x1F40  }
0x74: {  	[tilespmem:s14], [sflag:$0x3] =	stream.indirect.gather @!p1 [spmem:s2], $0x10, s8, s7, $0xb8;
	[tilespmem:$0xED80] =	vst v63  }
0x75: {  	s7 =	sadd.s32 s16, s11  }
0x76: {  	s18 =	sshrl.u32 s7, $0x3  }
0x77: {  	s8 =	sadd.s32 s4, s18  }
0x78: {  	[tilespmem:s21], [sflag:$0x1] =	stream.linear.gather [hbm4b:s8+s3], $0x640, $0x38;
	[tilespmem:$0xED80] =	vst v63  }
0x79: {  	_ =	swait.ge [sflag:s22], $0x640  }
0x7a: {  	[sflag:s22] =	ssyncset.done $0x0  }
0x7b: {  	s8 =	simm.s32 $0x680;
	[sflag:s22] =	ssyncadd.s32 $0xFFFFF9C0  }
0x7c: {  	s14 =	simm.s32 $0x1940;
	v0 =	vld [tilespmem:s8+$0xFFFFFFC0]  }
0x7d: {  	v1 =	vld [tilespmem:s14+$0xFFFFFFC0];
	_ =	sdelay $0x4  }
0x7e: {  	v0 =	vadd.s32 v0, v1  }
0x7f: {  	[tilespmem:s8+$0xFFFFFFC0] =	vst v0;
	v0 =	vld [tilespmem:s8+$0xFFFFFFD0]  }
0x80: {  	v1 =	vld [tilespmem:s14+$0xFFFFFFD0];
	_ =	sdelay $0x4  }
0x81: {  	v0 =	vadd.s32 v0, v1  }
0x82: {  	[tilespmem:s8+$0xFFFFFFD0] =	vst v0;
	v0 =	vld [tilespmem:s8+$0xFFFFFFE0]  }
0x83: {  	v1 =	vld [tilespmem:s14+$0xFFFFFFE0];
	_ =	sdelay $0x4  }
0x84: {  	v0 =	vadd.s32 v0, v1  }
0x85: {  	[tilespmem:s8+$0xFFFFFFE0] =	vst v0;
	v0 =	vld [tilespmem:s8+$0xFFFFFFF0]  }
0x86: {  	v1 =	vld [tilespmem:s14+$0xFFFFFFF0];
	_ =	sdelay $0x4  }
0x87: {  	v0 =	vadd.s32 v0, v1  }
0x88: {  	[tilespmem:s8+$0xFFFFFFF0] =	vst v0;
	v0 =	vld [tilespmem:s8+$0x0]  }
0x89: {  	v1 =	vld [tilespmem:s14+$0x0];
	_ =	sdelay $0x4  }
0x8a: {  	v0 =	vadd.s32 v0, v1  }
0x8b: {  	[tilespmem:s8+$0x0] =	vst v0;
	v0 =	vld [tilespmem:s8+$0x10]  }
0x8c: {  	v1 =	vld [tilespmem:s14+$0x10];
	_ =	sdelay $0x4  }
0x8d: {  	v0 =	vadd.s32 v0, v1  }
0x8e: {  	[tilespmem:s8+$0x10] =	vst v0;
	v0 =	vld [tilespmem:s8+$0x20]  }
0x8f: {  	v1 =	vld [tilespmem:s14+$0x20];
	_ =	sdelay $0x4  }
0x90: {  	v0 =	vadd.s32 v0, v1  }
0x91: {  	[tilespmem:s8+$0x20] =	vst v0;
	v0 =	vld [tilespmem:s8+$0x30]  }
0x92: {  	v1 =	vld [tilespmem:s14+$0x30];
	_ =	sdelay $0x4  }
0x93: {  	s15 =	sadd.s32 s5, s16;
	s17 =	simm.s32 $0x700;
	s18 =	simm.s32 $0x0;
	v0 =	vadd.s32 v0, v1  }
.LBB2_5:
0x94: {  	v1 =	vld [tilespmem:s17+$0xFFFFFFC0];
	[tilespmem:s8+$0x30] =	vst v0;
	s14 =	sadd.s32 $0x80, s14;
	s8 =	smov.u32 s17  }
0x95: {  	s18 =	sadd.s32 $0x8, s18;
	v0 =	vld [tilespmem:s14+$0xFFFFFFC0]  }
0x96: {  	p1 =	slt.u32 s18, $0x58;
	_ =	sdelay $0x3  }
0x97: {  	v0 =	vadd.s32 v1, v0  }
0x98: {  	[tilespmem:s17+$0xFFFFFFC0] =	vst v0;
	v0 =	vld [tilespmem:s17+$0xFFFFFFD0]  }
0x99: {  	v1 =	vld [tilespmem:s14+$0xFFFFFFD0];
	_ =	sdelay $0x4  }
0x9a: {  	v0 =	vadd.s32 v0, v1  }
0x9b: {  	[tilespmem:s17+$0xFFFFFFD0] =	vst v0;
	v0 =	vld [tilespmem:s17+$0xFFFFFFE0]  }
0x9c: {  	v1 =	vld [tilespmem:s14+$0xFFFFFFE0];
	_ =	sdelay $0x4  }
0x9d: {  	v0 =	vadd.s32 v0, v1  }
0x9e: {  	[tilespmem:s17+$0xFFFFFFE0] =	vst v0;
	v0 =	vld [tilespmem:s17+$0xFFFFFFF0]  }
0x9f: {  	v1 =	vld [tilespmem:s14+$0xFFFFFFF0];
	_ =	sdelay $0x4  }
0xa0: {  	v0 =	vadd.s32 v0, v1  }
0xa1: {  	[tilespmem:s17+$0xFFFFFFF0] =	vst v0;
	v0 =	vld [tilespmem:s17+$0x0]  }
0xa2: {  	v1 =	vld [tilespmem:s14+$0x0];
	_ =	sdelay $0x4  }
0xa3: {  	v0 =	vadd.s32 v0, v1  }
0xa4: {  	[tilespmem:s17+$0x0] =	vst v0;
	v0 =	vld [tilespmem:s17+$0x10]  }
0xa5: {  	v1 =	vld [tilespmem:s14+$0x10];
	_ =	sdelay $0x4  }
0xa6: {  	v0 =	vadd.s32 v0, v1  }
0xa7: {  	[tilespmem:s17+$0x10] =	vst v0;
	v0 =	vld [tilespmem:s17+$0x20]  }
0xa8: {  	v1 =	vld [tilespmem:s14+$0x20];
	_ =	sdelay $0x4  }
0xa9: {  	v0 =	vadd.s32 v0, v1  }
0xaa: {  	[tilespmem:s17+$0x20] =	vst v0;
	v0 =	vld [tilespmem:s17+$0x30]  }
0xab: {  	v1 =	vld [tilespmem:s14+$0x30]  }
.Ltmp1:
0xac: {  	(pc) =	sbr.rel @p1 .LBB2_5-.Ltmp1, $2  }
0xad: {  	_ =	sdelay $0x2  }
0xae: {  	s17 =	sadd.s32 $0x80, s17;
	v0 =	vadd.s32 v0, v1  }
0xaf: {  	[tilespmem:s8+$0x30] =	vst v0  }
0xb0: {  	v0 =	vld [tilespmem:$0xC40]  }
0xb1: {  	v1 =	vld [tilespmem:$0x1F00]  }
0xb2: {  	v2 =	vld [tilespmem:$0xC50]  }
0xb3: {  	v3 =	vld [tilespmem:$0x1F10]  }
0xb4: {  	v4 =	vld [tilespmem:$0xC60]  }
0xb5: {  	v5 =	vld [tilespmem:$0x1F20]  }
0xb6: {  	v6 =	vld [tilespmem:$0xC70]  }
0xb7: {  	v7 =	vld [tilespmem:$0x1F30];
	_ =	sdelay $0x1  }
0xb8: {  	v0 =	vadd.s32 v0, v1  }
0xb9: {  	[tilespmem:$0xC40] =	vst v0;
	v0 =	vadd.s32 v2, v3  }
0xba: {  	[tilespmem:$0xC50] =	vst v0;
	v0 =	vadd.s32 v4, v5  }
0xbb: {  	p1 =	seq.s32 s0, $0x0;
	[tilespmem:$0xC60] =	vst v0;
	v0 =	vadd.s32 v6, v7  }
0xbc: {  	s8 =	simm.s32 @!p1 $0x6;
	[tilespmem:$0xC70] =	vst v0  }
0xbd: {  	_ =	swait.ge @!p1 [sflag:s8], $0x6400  }
0xbe: {  	[sflag:s8] =	ssyncset.done @!p1 $0x0  }
0xbf: {  	[sflag:s8] =	ssyncadd.s32 @!p1 $0xFFFF9C00  }
0xc0: {  	[tilespmem:s23], [sflag:$0x4] =	stream.indirect.gather [spmem:s2], $0x10, s19, s19, $0xb8;
	[tilespmem:$0xED80] =	vst v63  }
0xc1: {  	_ =	swait.ge [sflag:s24], $0x6400  }
0xc2: {  	s17 =	sshll.u32 s15, $0x1;
	[sflag:s24] =	ssyncset.done $0x0  }
0xc3: {  	s18 =	sadd.s32 s16, s12;
	s8 =	sadd.s32 s1, s17;
	[sflag:s24] =	ssyncadd.s32 $0xFFFF9C00  }
0xc4: {  	[hbm4b:s8+s3] =	stream.linear.scatter [tilespmem:s25], [sflag:$0x5], $0x6400, $0x38;
	[tilespmem:$0xED80] =	vst v63  }
0xc5: {  	s8 =	sshrl.u32 s18, $0x3  }
0xc6: {  	s8 =	sadd.s32 s4, s8  }
0xc7: {  	[tilespmem:s26], [sflag:$0x2] =	stream.linear.gather [hbm4b:s8+s3], $0x640, $0x38;
	[tilespmem:$0xED80] =	vst v63  }
0xc8: {  	_ =	swait.ge [sflag:s20], $0x640  }
0xc9: {  	[sflag:s20] =	ssyncset.done $0x0  }
0xca: {  	s8 =	simm.s32 $0xCC0;
	[sflag:s20] =	ssyncadd.s32 $0xFFFFF9C0  }
0xcb: {  	s14 =	simm.s32 $0x1940;
	v0 =	vld [tilespmem:s8+$0xFFFFFFC0]  }
0xcc: {  	v1 =	vld [tilespmem:s14+$0xFFFFFFC0];
	_ =	sdelay $0x4  }
0xcd: {  	v0 =	vadd.s32 v0, v1  }
0xce: {  	[tilespmem:s8+$0xFFFFFFC0] =	vst v0;
	v0 =	vld [tilespmem:s8+$0xFFFFFFD0]  }
0xcf: {  	v1 =	vld [tilespmem:s14+$0xFFFFFFD0];
	_ =	sdelay $0x4  }
0xd0: {  	v0 =	vadd.s32 v0, v1  }
0xd1: {  	[tilespmem:s8+$0xFFFFFFD0] =	vst v0;
	v0 =	vld [tilespmem:s8+$0xFFFFFFE0]  }
0xd2: {  	v1 =	vld [tilespmem:s14+$0xFFFFFFE0];
	_ =	sdelay $0x4  }
0xd3: {  	v0 =	vadd.s32 v0, v1  }
0xd4: {  	[tilespmem:s8+$0xFFFFFFE0] =	vst v0;
	v0 =	vld [tilespmem:s8+$0xFFFFFFF0]  }
0xd5: {  	v1 =	vld [tilespmem:s14+$0xFFFFFFF0];
	_ =	sdelay $0x4  }
0xd6: {  	v0 =	vadd.s32 v0, v1  }
0xd7: {  	[tilespmem:s8+$0xFFFFFFF0] =	vst v0;
	v0 =	vld [tilespmem:s8+$0x0]  }
0xd8: {  	v1 =	vld [tilespmem:s14+$0x0];
	_ =	sdelay $0x4  }
0xd9: {  	v0 =	vadd.s32 v0, v1  }
0xda: {  	[tilespmem:s8+$0x0] =	vst v0;
	v0 =	vld [tilespmem:s8+$0x10]  }
0xdb: {  	v1 =	vld [tilespmem:s14+$0x10];
	_ =	sdelay $0x4  }
0xdc: {  	v0 =	vadd.s32 v0, v1  }
0xdd: {  	[tilespmem:s8+$0x10] =	vst v0;
	v0 =	vld [tilespmem:s8+$0x20]  }
0xde: {  	v1 =	vld [tilespmem:s14+$0x20];
	_ =	sdelay $0x4  }
0xdf: {  	v0 =	vadd.s32 v0, v1  }
0xe0: {  	[tilespmem:s8+$0x20] =	vst v0;
	v0 =	vld [tilespmem:s8+$0x30]  }
0xe1: {  	v1 =	vld [tilespmem:s14+$0x30];
	_ =	sdelay $0x4  }
0xe2: {  	s15 =	simm.s32 $0x0;
	s17 =	simm.s32 $0xD40;
	v0 =	vadd.s32 v0, v1  }
.LBB2_7:
0xe3: {  	v1 =	vld [tilespmem:s17+$0xFFFFFFC0];
	[tilespmem:s8+$0x30] =	vst v0;
	s14 =	sadd.s32 $0x80, s14;
	s8 =	smov.u32 s17  }
0xe4: {  	s15 =	sadd.s32 $0x8, s15;
	v0 =	vld [tilespmem:s14+$0xFFFFFFC0]  }
0xe5: {  	p1 =	slt.u32 s15, $0x58;
	_ =	sdelay $0x3  }
0xe6: {  	v0 =	vadd.s32 v1, v0  }
0xe7: {  	[tilespmem:s17+$0xFFFFFFC0] =	vst v0;
	v0 =	vld [tilespmem:s17+$0xFFFFFFD0]  }
0xe8: {  	v1 =	vld [tilespmem:s14+$0xFFFFFFD0];
	_ =	sdelay $0x4  }
0xe9: {  	v0 =	vadd.s32 v0, v1  }
0xea: {  	[tilespmem:s17+$0xFFFFFFD0] =	vst v0;
	v0 =	vld [tilespmem:s17+$0xFFFFFFE0]  }
0xeb: {  	v1 =	vld [tilespmem:s14+$0xFFFFFFE0];
	_ =	sdelay $0x4  }
0xec: {  	v0 =	vadd.s32 v0, v1  }
0xed: {  	[tilespmem:s17+$0xFFFFFFE0] =	vst v0;
	v0 =	vld [tilespmem:s17+$0xFFFFFFF0]  }
0xee: {  	v1 =	vld [tilespmem:s14+$0xFFFFFFF0];
	_ =	sdelay $0x4  }
0xef: {  	v0 =	vadd.s32 v0, v1  }
0xf0: {  	[tilespmem:s17+$0xFFFFFFF0] =	vst v0;
	v0 =	vld [tilespmem:s17+$0x0]  }
0xf1: {  	v1 =	vld [tilespmem:s14+$0x0];
	_ =	sdelay $0x4  }
0xf2: {  	v0 =	vadd.s32 v0, v1  }
0xf3: {  	[tilespmem:s17+$0x0] =	vst v0;
	v0 =	vld [tilespmem:s17+$0x10]  }
0xf4: {  	v1 =	vld [tilespmem:s14+$0x10];
	_ =	sdelay $0x4  }
0xf5: {  	v0 =	vadd.s32 v0, v1  }
0xf6: {  	[tilespmem:s17+$0x10] =	vst v0;
	v0 =	vld [tilespmem:s17+$0x20]  }
0xf7: {  	v1 =	vld [tilespmem:s14+$0x20];
	_ =	sdelay $0x4  }
0xf8: {  	v0 =	vadd.s32 v0, v1  }
0xf9: {  	[tilespmem:s17+$0x20] =	vst v0;
	v0 =	vld [tilespmem:s17+$0x30]  }
0xfa: {  	v1 =	vld [tilespmem:s14+$0x30]  }
.Ltmp2:
0xfb: {  	(pc) =	sbr.rel @p1 .LBB2_7-.Ltmp2, $2  }
0xfc: {  	_ =	sdelay $0x2  }
0xfd: {  	s17 =	sadd.s32 $0x80, s17;
	v0 =	vadd.s32 v0, v1  }
0xfe: {  	[tilespmem:s8+$0x30] =	vst v0  }
0xff: {  	v0 =	vld [tilespmem:$0x1280]  }
0x100: {  	v1 =	vld [tilespmem:$0x1F00]  }
0x101: {  	v2 =	vld [tilespmem:$0x1290]  }
0x102: {  	v3 =	vld [tilespmem:$0x1F10]  }
0x103: {  	v4 =	vld [tilespmem:$0x12A0]  }
0x104: {  	v5 =	vld [tilespmem:$0x1F20]  }
0x105: {  	v6 =	vld [tilespmem:$0x12B0]  }
0x106: {  	v7 =	vld [tilespmem:$0x1F30];
	_ =	sdelay $0x1  }
0x107: {  	v0 =	vadd.s32 v0, v1  }
0x108: {  	[tilespmem:$0x1280] =	vst v0;
	v0 =	vadd.s32 v2, v3  }
0x109: {  	[tilespmem:$0x1290] =	vst v0;
	v0 =	vadd.s32 v4, v5  }
0x10a: {  	[tilespmem:$0x12A0] =	vst v0;
	v0 =	vadd.s32 v6, v7  }
0x10b: {  	[tilespmem:$0x12B0] =	vst v0  }
0x10c: {  	_ =	swait.ge [sflag:s28], $0x6400  }
0x10d: {  	[sflag:s28] =	ssyncset.done $0x0  }
0x10e: {  	[sflag:s28] =	ssyncadd.s32 $0xFFFF9C00  }
0x10f: {  	[tilespmem:s25], [sflag:$0x3] =	stream.indirect.gather [spmem:s2], $0x10, s21, s19, $0xb8;
	[tilespmem:$0xED80] =	vst v63  }
0x110: {  	s6 =	sshll.u32 s6, $0x1;
	_ =	swait.ge [sflag:s29], $0x6400  }
0x111: {  	s6 =	sand.u32 $0x1FFFFE80, s6;
	[sflag:s29] =	ssyncset.done $0x0  }
0x112: {  	p1 =	seq.s32 s0, $0x7;
	s6 =	sadd.s32 s1, s6;
	[sflag:s29] =	ssyncadd.s32 $0xFFFF9C00  }
0x113: {  	[hbm4b:s6+s3] =	stream.linear.scatter [tilespmem:s23], [sflag:$0x6], $0x6400, $0x38;
	[tilespmem:$0xED80] =	vst v63  }
0x114: {  	s6 =	sadd.s32 @!p1 s16, s13  }
0x115: {  	s6 =	sshrl.u32 @!p1 s6, $0x3  }
0x116: {  	s8 =	simm.s32 @!p1 $0x0;
	s6 =	sadd.s32 @!p1 s4, s6  }
0x117: {  	[tilespmem:s8], [sflag:$0x1] =	stream.linear.gather @!p1 [hbm4b:s6+s8], $0x640, $0x38;
	[tilespmem:$0xED80] =	vst v63  }
0x118: {  	_ =	swait.ge [sflag:s22], $0x640  }
0x119: {  	[sflag:s22] =	ssyncset.done $0x0  }
0x11a: {  	s6 =	simm.s32 $0x1300;
	[sflag:s22] =	ssyncadd.s32 $0xFFFFF9C0  }
0x11b: {  	s8 =	simm.s32 $0x1940;
	v0 =	vld [tilespmem:s6+$0xFFFFFFC0]  }
0x11c: {  	v1 =	vld [tilespmem:s8+$0xFFFFFFC0];
	_ =	sdelay $0x4  }
0x11d: {  	v0 =	vadd.s32 v0, v1  }
0x11e: {  	[tilespmem:s6+$0xFFFFFFC0] =	vst v0;
	v0 =	vld [tilespmem:s6+$0xFFFFFFD0]  }
0x11f: {  	v1 =	vld [tilespmem:s8+$0xFFFFFFD0];
	_ =	sdelay $0x4  }
0x120: {  	v0 =	vadd.s32 v0, v1  }
0x121: {  	[tilespmem:s6+$0xFFFFFFD0] =	vst v0;
	v0 =	vld [tilespmem:s6+$0xFFFFFFE0]  }
0x122: {  	v1 =	vld [tilespmem:s8+$0xFFFFFFE0];
	_ =	sdelay $0x4  }
0x123: {  	v0 =	vadd.s32 v0, v1  }
0x124: {  	[tilespmem:s6+$0xFFFFFFE0] =	vst v0;
	v0 =	vld [tilespmem:s6+$0xFFFFFFF0]  }
0x125: {  	v1 =	vld [tilespmem:s8+$0xFFFFFFF0];
	_ =	sdelay $0x4  }
0x126: {  	v0 =	vadd.s32 v0, v1  }
0x127: {  	[tilespmem:s6+$0xFFFFFFF0] =	vst v0;
	v0 =	vld [tilespmem:s6+$0x0]  }
0x128: {  	v1 =	vld [tilespmem:s8+$0x0];
	_ =	sdelay $0x4  }
0x129: {  	v0 =	vadd.s32 v0, v1  }
0x12a: {  	[tilespmem:s6+$0x0] =	vst v0;
	v0 =	vld [tilespmem:s6+$0x10]  }
0x12b: {  	v1 =	vld [tilespmem:s8+$0x10];
	_ =	sdelay $0x4  }
0x12c: {  	v0 =	vadd.s32 v0, v1  }
0x12d: {  	[tilespmem:s6+$0x10] =	vst v0;
	v0 =	vld [tilespmem:s6+$0x20]  }
0x12e: {  	v1 =	vld [tilespmem:s8+$0x20];
	_ =	sdelay $0x4  }
0x12f: {  	v0 =	vadd.s32 v0, v1  }
0x130: {  	[tilespmem:s6+$0x20] =	vst v0;
	v0 =	vld [tilespmem:s6+$0x30]  }
0x131: {  	v1 =	vld [tilespmem:s8+$0x30];
	_ =	sdelay $0x4  }
0x132: {  	s14 =	simm.s32 $0x0;
	s15 =	simm.s32 $0x1380;
	v0 =	vadd.s32 v0, v1  }
.LBB2_9:
0x133: {  	v1 =	vld [tilespmem:s15+$0xFFFFFFC0];
	[tilespmem:s6+$0x30] =	vst v0;
	s8 =	sadd.s32 $0x80, s8;
	s6 =	smov.u32 s15  }
0x134: {  	s14 =	sadd.s32 $0x8, s14;
	v0 =	vld [tilespmem:s8+$0xFFFFFFC0]  }
0x135: {  	p1 =	slt.u32 s14, $0x58;
	_ =	sdelay $0x3  }
0x136: {  	v0 =	vadd.s32 v1, v0  }
0x137: {  	[tilespmem:s15+$0xFFFFFFC0] =	vst v0;
	v0 =	vld [tilespmem:s15+$0xFFFFFFD0]  }
0x138: {  	v1 =	vld [tilespmem:s8+$0xFFFFFFD0];
	_ =	sdelay $0x4  }
0x139: {  	v0 =	vadd.s32 v0, v1  }
0x13a: {  	[tilespmem:s15+$0xFFFFFFD0] =	vst v0;
	v0 =	vld [tilespmem:s15+$0xFFFFFFE0]  }
0x13b: {  	v1 =	vld [tilespmem:s8+$0xFFFFFFE0];
	_ =	sdelay $0x4  }
0x13c: {  	v0 =	vadd.s32 v0, v1  }
0x13d: {  	[tilespmem:s15+$0xFFFFFFE0] =	vst v0;
	v0 =	vld [tilespmem:s15+$0xFFFFFFF0]  }
0x13e: {  	v1 =	vld [tilespmem:s8+$0xFFFFFFF0];
	_ =	sdelay $0x4  }
0x13f: {  	v0 =	vadd.s32 v0, v1  }
0x140: {  	[tilespmem:s15+$0xFFFFFFF0] =	vst v0;
	v0 =	vld [tilespmem:s15+$0x0]  }
0x141: {  	v1 =	vld [tilespmem:s8+$0x0];
	_ =	sdelay $0x4  }
0x142: {  	v0 =	vadd.s32 v0, v1  }
0x143: {  	[tilespmem:s15+$0x0] =	vst v0;
	v0 =	vld [tilespmem:s15+$0x10]  }
0x144: {  	v1 =	vld [tilespmem:s8+$0x10];
	_ =	sdelay $0x4  }
0x145: {  	v0 =	vadd.s32 v0, v1  }
0x146: {  	[tilespmem:s15+$0x10] =	vst v0;
	v0 =	vld [tilespmem:s15+$0x20]  }
0x147: {  	v1 =	vld [tilespmem:s8+$0x20];
	_ =	sdelay $0x4  }
0x148: {  	v0 =	vadd.s32 v0, v1  }
0x149: {  	[tilespmem:s15+$0x20] =	vst v0;
	v0 =	vld [tilespmem:s15+$0x30]  }
0x14a: {  	v1 =	vld [tilespmem:s8+$0x30]  }
.Ltmp3:
0x14b: {  	(pc) =	sbr.rel @p1 .LBB2_9-.Ltmp3, $2  }
0x14c: {  	_ =	sdelay $0x2  }
0x14d: {  	s15 =	sadd.s32 $0x80, s15;
	v0 =	vadd.s32 v0, v1  }
0x14e: {  	[tilespmem:s6+$0x30] =	vst v0  }
0x14f: {  	v0 =	vld [tilespmem:$0x18C0]  }
0x150: {  	v1 =	vld [tilespmem:$0x1F00]  }
0x151: {  	v2 =	vld [tilespmem:$0x18D0]  }
0x152: {  	v3 =	vld [tilespmem:$0x1F10]  }
0x153: {  	v4 =	vld [tilespmem:$0x18E0]  }
0x154: {  	v5 =	vld [tilespmem:$0x1F20]  }
0x155: {  	v6 =	vld [tilespmem:$0x18F0]  }
0x156: {  	v7 =	vld [tilespmem:$0x1F30];
	_ =	sdelay $0x1  }
0x157: {  	v0 =	vadd.s32 v0, v1  }
0x158: {  	v61 =	vadd.s32 v2, v3;
	[tilespmem:$0x18C0] =	vst v0  }
0x159: {  	v62 =	vadd.s32 v4, v5;
	[tilespmem:$0x18D0] =	vst v61  }
0x15a: {  	v63 =	vadd.s32 v6, v7;
	[tilespmem:$0x18E0] =	vst v62  }
0x15b: {  	[tilespmem:$0x18F0] =	vst v63  }
0x15c: {  	_ =	swait.ge [sflag:s30], $0x6400  }
0x15d: {  	s0 =	sadd.s32 $0x1, s0;
	[sflag:s30] =	ssyncset.done $0x0  }
0x15e: {  	p1 =	sne.s32 s0, $0x8;
	[sflag:s30] =	ssyncadd.s32 $0xFFFF9C00  }
0x15f: {  	[tilespmem:s23], [sflag:$0x4] =	stream.indirect.gather [spmem:s2], $0x10, s26, s19, $0xb8;
	[tilespmem:$0xED80] =	vst v63  }
.Ltmp4:
0x160: {  	_ = 	snop;
	(pc) =	sbr.rel @p1 .LBB2_2-.Ltmp4, $4  }
0x161: {  	s18 =	sshll.u32 s7, $0x1;
	_ =	swait.ge [sflag:s24], $0x6400  }
0x162: {  	s6 =	sand.u32 $0x1FFFFF00, s18;
	[sflag:s24] =	ssyncset.done $0x0  }
0x163: {  	s6 =	sadd.s32 s1, s6;
	[sflag:s24] =	ssyncadd.s32 $0xFFFF9C00  }
0x164: {  	[hbm4b:s6+s3] =	stream.linear.scatter [tilespmem:s25], [sflag:$0x5], $0x6400, $0x38;
	[tilespmem:$0xED80] =	vst v63  }
0x165: {  	_ =	swait.ge [sflag:s29], $0x6400  }
0x166: {  	[sflag:s29] =	ssyncset.done $0x0  }
0x167: {  	s0 =	rddreg [dreg:$0x7];
	[sflag:s29] =	ssyncadd.s32 $0xFFFF9C00  }
0x168: {  	[hbm4b:s0+s3] =	stream.linear.scatter [tilespmem:s23], [sflag:$0x6], $0x6400, $0x38;
	[tilespmem:$0xED80] =	vst v63  }
0x169: {  	_ =	swait.ge [sflag:s28], $0x6400  }
0x16a: {  	[sflag:s28] =	ssyncset.done $0x0  }
0x16b: {  	[sflag:s28] =	ssyncadd.s32 $0xFFFF9C00  }
0x16c: {  	_ =	swait.ge [sflag:s30], $0x6400  }
0x16d: {  	s31 =	sadd.s32 $0x1, s31;
	s18 =	rddreg [dreg:$0x8]  }
0x16e: {  	p1 =	sne.s32 s31, s18  }
.Ltmp5:
0x16f: {  	_ = 	snop;
	(pc) =	sbr.rel @p1 .LBB2_1-.Ltmp5, $3  }
0x170: {  	_ =	sdelay $0x1  }
0x171: {  	[sflag:s30] =	ssyncset.done $0x0  }
0x172: {  	[sflag:s30] =	ssyncadd.s32 $0xFFFF9C00  }
0x173: {  	_ =	sfence.sel $0x180000  }
0x174: {  	[bflag:$0x0] =	sbarrier.arrive $0xFFFF  }
0x175: {  	_ =	strace $0x90000047  }
0x176: {  	[bflag:$0x2] =	sbarrier.arrive $0xFFFF  }
0x177: {  	s0 =	rddreg [dreg:$0x3]  }
0x178: {  	s0 =	sadd.s32 @!p0 $0x100000, s0  }
0x179: {  	[sflag:s0] =	ssyncadd.tile.s32 @!p0 $0x1;
	_ =	shalt  }
.Lfunc_end2:
_tile_overlayer_lowered:
.L_overlay_start_2:
0x17a: {  	(tag) =	ssettag $0x2  }
0x17b: {  	s0 =	rddreg [dreg:$0x0];
	s2 =	stileid.u32  }
0x17c: {  	s1 =	rddreg [dreg:$0x1];
	p0 =	sne.s32 s2, $0x0  }
0x17d: {  	s3 =	rddreg [dreg:$0x2];
	[bflag:$0x3] =	sbarrier.arrive $0xFFFF;
	s2 =	simm.s32 @!p0 $0x1C07  }
0x17e: {  	[timem:s3], [sflag:s2] =	dma.local @!p0 [hbm:s0], s1  }
0x17f: {  	s0 =	simm.s32 @!p0 $0x7  }
0x180: {  	_ =	swait.ge @!p0 [sflag:s0], s1  }
0x181: {  	s1 =	ssub.s32 @!p0 $0x0, s1;
	[sflag:s0] =	ssyncset.done @!p0 $0x0  }
0x182: {  	[sflag:s0] =	ssyncadd.s32 @!p0 s1  }
0x183: {  	[bflag:$0x3] =	sbarrier.arrive $0xFFFF  }
0x184: {  	_ =	shalt  }

// kernel: sparse-core-data-format-call.cloned.1.call-start
scs
called_computation_lowered:
.L_overlay_start_0:
0x0: {  	s2 =	sld [smem:$0x3FD9]  }
0x1: {  	s3 =	sld [smem:$0x3FFE];
	_ =	sdelay $0x1  }
0x2: {  	s1 =	srdreg.scid  }
0x3: {  	s0 =	sand.u32 $0x1, s1  }
0x4: {  	s18 =	sshll.u32 s0, $0xA;
	s2 =	sadd.s32 s3, s2  }
0x5: {  	s2 =	sadd.s32 s2, s18  }
0x6: {  	[smem:$0x3FC6] =	sst s2  }
0x7: {  	_ = 	snop  }
0x8: {  	s2 =	sld [smem:$0x3FD0];
	(tm) =	ssettm $0x1  }
0x9: {  	s19 =	sld [smem:$0x3FFB];
	_ =	sdelay $0x3  }
0xa: {  	_ =	strace s19  }
0xb: {  	s3 =	sld [smem:$0x3FFC];
	_ =	sdelay $0x3  }
0xc: {  	_ =	strace s3  }
0xd: {  	s3 =	sld [smem:$0x3FFD];
	_ =	sdelay $0x3  }
0xe: {  	_ =	strace s3  }
0xf: {  	_ =	strace $0x8FFFFFFF  }
0x10: {  	s20 =	sld [smem:$0x3FDB];
	_ =	sdelay $0x1  }
0x11: {  	s4 =	simm.s32 $_scs_section_size  }
0x12: {  	s5 =	simm.s32 $_size__tile_overlayer_lowered;
	s6 =	simm.s32 $_tile_overlayer_lowered  }
0x13: {  	s23 =	simm.s32 $0x1BFF;
	s22 =	sshll.u32 s6, $0x1;
	s3 =	sadd.s32 s4, s20  }
0x14: {  	s7 =	simm.s32 $0x0;
	s21 =	sshll.u32 s5, $0x1;
	s5 =	sadd.s32 s22, s3  }
0x15: {  	[timem:s7], [sflag:s23] =	dma.local [hbm:s5], s21  }
0x16: {  	_ =	swait.ge [sflag:s23], s21  }
0x17: {  	s4 =	ssub.s32 $0x0, s21;
	[sflag:s23] =	ssyncset.done $0x0  }
0x18: {  	[sflag:s23] =	ssyncadd.s32 s4;
	_ =	sdelay $0x1  }
0x19: {  	s24 =	simm.s32 $0x1B8B  }
0x1a: {  	_ =	swait.ge [sflag:s24], $0x1  }
0x1b: {  	[sflag:s24] =	ssyncset.done $0x0  }
0x1c: {  	s26 =	simm.s32 $0x1B8E;
	s25 =	sld [smem:$0x3FFE];
	[sflag:s24] =	ssyncadd.s32 $0xFFFFFFFF  }
0x1d: {  	s27 =	simm.s32 $execute0_lowered;
	[smem:$0x3FD2] =	sst s26  }
0x1e: {  	s5 =	sshll.u32 s27, $0x1;
	_ =	strace $0x80000049;
	[dreg:$0x1] =	wrdreg $0xFFFFFFFF  }
0x1f: {  	s28 =	simm.s32 $_size_execute0_lowered;
	s3 =	sadd.s32 s3, s5;
	[dreg:$0x0] =	wrdreg $0x0  }
0x20: {  	s5 =	sshll.u32 s28, $0x1;
	[dreg:$0x2] =	wrdreg s3  }
0x21: {  	[dreg:$0x3] =	wrdreg s5  }
0x22: {  	[dreg:$0x4] =	wrdreg $0xC0  }
0x23: {  	_ =	task [dreg:s7], $0x5FFFF  }
0x24: {  	[dreg:$0x1] =	wrdreg $0xFFFFFFFF  }
0x25: {  	[dreg:$0x0] =	wrdreg $0x60  }
0x26: {  	[dreg:$0x2] =	wrdreg s25  }
0x27: {  	[dreg:$0x3] =	wrdreg s2  }
0x28: {  	[dreg:$0x4] =	wrdreg $0x9  }
0x29: {  	_ =	task.clear_ibuf [dreg:s7], $0x5FFFF;
	_ =	strace $0x90000049  }
0x2a: {  	s29 =	simm.s32 $0x9;
	_ =	strace $0x8000004B  }
0x2b: {  	_ =	swait.ge [sflag:s29], $0x1  }
0x2c: {  	[sflag:s29] =	ssyncadd.s32 $0xFFFFFFFF  }
0x2d: {  	_ =	strace $0x9000004B  }
0x2e: {  	_ =	sfence  }
0x2f: {  	s30 =	sld [smem:$0x0];
	_ =	sdelay $0x2  }
0x30: {  	s31 =	sshll.u32 s1, $0xD;
	s1 =	sshrl.u32 s1, $0x2  }
0x31: {  	s3 =	sand.u32 $0x4000, s31;
	s1 =	sadd.s32 s1, s30  }
0x32: {  	s0 =	sor.u32 s3, s0;
	s1 =	sshll.u32 s1, $0x11  }
0x33: {  	s0 =	sor.u32 s1, s0  }
0x34: {  	s0 =	sadd.s32 $0x8F2B, s0  }
0x35: {  	[sflag:s0] =	ssyncadd.remote.s32 $0x1  }
0x36: {  	_ =	sfence.sel $0xFFFF  }
0x37: {  	[dreg:$0x0] =	wrdreg $0xFFFFFFFF;
	(pc) =	sbr.abs _section_cstart, $3  }
0x38: {  	[dreg:$0x1] =	wrdreg $0xFFFFFFFF  }
0x39: {  	_ =	task.clear_ibuf [dreg:s7], $0x2FFFF;
	_ =	strace $0x9FFFFFFF  }
0x3a: {  	(tm) =	ssettm $0x7FFFFFFF  }
0x3b: {  	_ =	shalt  }
tec
execute0_lowered:
.L_overlay_start_1:
0x0: {  	(tag) =	ssettag $0x1  }
0x1: {  	s0 =	srdreg.scid  }
0x2: {  	s1 =	sshll.u32 s0, $0x4  }
0x3: {  	s6 =	rddreg [dreg:$0x0];
	s0 =	stileid.u32;
	s1 =	sand.u32 $0x10, s1  }
0x4: {  	s3 =	rddreg [dreg:$0x1];
	s1 =	sor.u32 s0, s1  }
0x5: {  	s5 =	simm.s32 $0x1;
	s31 =	simm.s32 $0x2;
	s2 =	sshll.u32 s1, $0x7  }
0x6: {  	s15 =	simm.s32 $0x0;
	s8 =	simm.s32 $0x20000;
	s4 =	ssub.s32 $0x4000, s2  }
0x7: {  	s14 =	simm.s32 $0x0;
	s9 =	simm.s32 $0x0;
	s30 =	sand.u32 $0xF80, s4  }
0x8: {  	s10 =	simm.s32 $0x0;
	s11 =	simm.s32 $0x0;
	p0 =	sne.s32 s30, $0x0  }
.Ltmp0:
0x9: {  	s7 =	sshrl.u32 s4, $0xC;
	s5 =	simm.s32 @!p0 $0x0;
	(pc) =	sbr.rel .LBB1_1-.Ltmp0, $4  }
0xa: {  	s13 =	simm.s32 $0x0;
	s1 =	rddreg [dreg:$0x2];
	s5 =	sadd.s32 s5, s7  }
0xb: {  	_ =	strace $0x8000004A;
	s4 =	simm.s32 $0x1;
	s5 =	smul.u32 $0xD, s5  }
0xc: {  	s6 =	sadd.s32 $0x800, s6;
	s12 =	smov.u32 s2;
	[sflag:s4] =	ssyncpa.u1 $0x0  }
0xd: {  	[sflag:s31] =	ssyncpa.u1 $0x0;
	p0 =	por $0x0, $0x0;
	s7 =	sadd.s32 $0x1, s5  }
.LBB1_4:
0xe: {  	s20 =	sshra.s32 s20, $0x2  }
0xf: {  	s28 =	sand.u32 $0x78, s10;
	s21 =	sshll.u32 s9, $0xE;
	s22 =	sshll.u32 s10, $0x3  }
0x10: {  	s24 =	sshll.u32 s9, $0x7;
	p1 =	sgt.s32 s9, $0x5C0;
	s30 =	sshra.s32 s9, $0x1F  }
0x11: {  	s26 =	sshra.s32 s10, $0x1F;
	s19 =	sadd.s32 s20, s19;
	s21 =	sand.u32 $0xFFFE0000, s21  }
0x12: {  	v5 =	vld [tilespmem:s17+$0xFFFFFFD0];
	[tilespmem:s18+$0x2040 ss:$0x81] =	vst.msk $0xffff, v4;
	s23 =	sand.u32 $0xFFFFFC00, s22;
	s29 =	sand.u32 $0x380, s24;
	s22 =	sand.u32 $0x3C00, s22  }
0x13: {  	v58 =	vld [tilespmem:s17+$0xFFFFFFE0];
	[tilespmem:s18+$0x2850 ss:$0x81] =	vst.msk $0xffff, v3;
	s21 =	sadd.s32 s23, s21;
	s20 =	sor.u32 s28, s22;
	s22 =	smov.u32 s9  }
0x14: {  	v59 =	vld [tilespmem:s17+$0xFFFFFFF0];
	[tilespmem:s18+$0x3060 ss:$0x81] =	vst.msk $0xffff, v2;
	s24 =	sand.u32 s30, s9;
	s21 =	sshrl.u32 s21, $0xE;
	s22 =	simm.s32 @!p1 $0x5C0  }
0x15: {  	v60 =	vld [tilespmem:s17+$0x0];
	[tilespmem:s18+$0x0 ss:$0x81] =	vst.msk $0xffff, v1;
	p1 =	sgt.s32 s10, $0x3F80;
	s31 =	ssub.s32 s22, s24;
	s22 =	smov.u32 s10  }
0x16: {  	v61 =	vld [tilespmem:s17+$0x10];
	[tilespmem:s19+$0x3870 ss:$0x81] =	vst.msk $0xffff, v0;
	s25 =	smulhi.u32 $0x28F5C3, s21;
	s24 =	sand.u32 s26, s10;
	s22 =	simm.s32 @!p1 $0x3F80  }
0x17: {  	v62 =	vld [tilespmem:s17+$0x20];
	s20 =	sor.u32 s29, s20;
	[tilespmem:s19+$0x810 ss:$0x81] =	vst.msk $0xffff, v5;
	s27 =	sadd.s32 $0xFFFFFA40, s31;
	s22 =	ssub.s32 s22, s24  }
0x18: {  	v63 =	vld [tilespmem:s17+$0xFFFFFFC0];
	[tilespmem:s19+$0x1020 ss:$0x81] =	vst.msk $0xffff, v58;
	s18 =	ssub.s32 $0x640, s31;
	s28 =	smul.u32 $0x640, s25;
	s29 =	sadd.s32 $0xFFFFC080, s22  }
0x19: {  	[tilespmem:s19+$0x1830 ss:$0x81] =	vst.msk $0xffff, v59;
	p1 =	sgt.s32 s27, $0x7F;
	s22 =	ssub.s32 $0x4000, s22;
	p2 =	sgt.s32 s29, $0x7F  }
0x1a: {  	s30 =	sand.u32 $0x7, s10;
	[tilespmem:s19+$0x2040 ss:$0x81] =	vst.msk $0xffff, v60;
	s18 =	simm.s32 @p1 $0x0;
	s22 =	simm.s32 @p2 $0x0  }
0x1b: {  	s20 =	sshrl.u32 s20, $0x3;
	[tilespmem:s19+$0x2850 ss:$0x81] =	vst.msk $0xffff, v61;
	s17 =	ssub.s32 s21, s28;
	s18 =	smul.u32 s22, s18  }
0x1c: {  	[tilespmem:s19+$0x3060 ss:$0x81] =	vst.msk $0xffff, v62;
	s20 =	sadd.s32 s3, s20;
	s21 =	sshll.u32 s30, $0x12;
	s17 =	sshll.u32 s17, $0xB  }
0x1d: {  	[tilespmem:s19+$0x0 ss:$0x81] =	vst.msk $0xffff, v63;
	s31 =	sor.u32 $0x400, s21;
	s17 =	sadd.s32 s17, s20;
	s18 =	sand.u32 $0x3FFFFFFF, s18  }
0x1e: {  	[hbm4b:s17+s31] =	stream.strided.scatter [tilespmem:s16], [sflag:$0x2], s18, s8, s31, $0x20;
	[tilespmem:$0x10100] =	vst v63  }
.LBB1_5:
0x1f: {  	p1 =	slt.u32 s13, $0x2  }
0x20: {  	s17 =	smov.u32 s15;
	p2 =	sgt.s32 @!p1 s15, $0x5C0;
	s16 =	sshra.s32 @!p1 s15, $0x1F  }
0x21: {  	p3 =	sgt.s32 @!p1 s14, $0x3F80;
	s18 =	sshra.s32 @!p1 s14, $0x1F;
	p2 =	por !p2, p1  }
0x22: {  	s15 =	sand.u32 @!p1 s16, s15;
	p3 =	por !p3, p1;
	s16 =	smov.u32 s14  }
0x23: {  	s14 =	sand.u32 @!p1 s18, s14;
	s17 =	simm.s32 @p2 $0x5C0;
	s16 =	simm.s32 @p3 $0x3F80  }
0x24: {  	s15 =	ssub.s32 @!p1 s17, s15;
	s14 =	ssub.s32 @!p1 s16, s14  }
0x25: {  	s18 =	smov.u32 s12;
	s16 =	sadd.s32 @!p1 $0xFFFFFA40, s15;
	s17 =	sadd.s32 @!p1 $0xFFFFC080, s14  }
0x26: {  	s15 =	ssub.s32 @!p1 $0x640, s15;
	p2 =	sgt.s32 @!p1 s16, $0x7F;
	p3 =	sgt.s32 @!p1 s17, $0x7F  }
0x27: {  	s14 =	ssub.s32 @!p1 $0x4000, s14;
	p2 =	por !p2, p1;
	p3 =	por !p3, p1  }
0x28: {  	s16 =	sadd.s32 $0x80, s11;
	s15 =	simm.s32 @!p2 $0x0;
	s14 =	simm.s32 @!p3 $0x0  }
0x29: {  	p2 =	sgt.s32 s16, $0x63F;
	s14 =	smul.u32 @!p1 s14, s15;
	s15 =	sadd.s32 $0x1000, s12  }
0x2a: {  	s18 =	smov.u32 @p2 s15  }
0x2b: {  	s16 =	simm.s32 @p2 $0x0;
	p2 =	sgt.s32 s18, $0x3FFF  }
0x2c: {  	s18 =	smov.u32 @p2 s2;
	p2 =	sne.s32 s13, s7  }
.Ltmp1:
0x2d: {  	p0 =	por !p0, !p0;
	s17 =	simm.s32 @!p1 $0x2;
	(pc) =	sbr.rel @!p2 .LBB1_6-.Ltmp1, $4  }
0x2e: {  	s15 =	smov.u32 s9;
	s9 =	smov.u32 s11;
	s14 =	sand.u32 @!p1 $0x3FFFFFFF, s14  }
0x2f: {  	s11 =	smov.u32 s16;
	_ =	swait.ge @!p1 [sflag:s17], s14;
	s19 =	ssub.s32 @!p1 $0x0, s14  }
0x30: {  	s14 =	smov.u32 s10;
	s13 =	sadd.s32 $0x1, s13;
	[sflag:s17] =	ssyncset.done @!p1 $0x0  }
0x31: {  	s10 =	smov.u32 s12;
	s12 =	smov.u32 s18;
	[sflag:s17] =	ssyncadd.s32 @!p1 s19  }
.LBB1_1:
0x32: {  	p1 =	sge.u32 s13, s5  }
0x33: {  	s16 =	sshrl.u32 @!p1 s12, $0x3  }
0x34: {  	s17 =	sshll.u32 @!p1 s11, $0x3;
	s16 =	smul.u32 @!p1 $0x3400, s16  }
0x35: {  	s18 =	sshll.u32 @!p1 s12, $0x7;
	s17 =	sand.u32 @!p1 $0xFFFFFC00, s17  }
0x36: {  	s16 =	sadd.s32 @!p1 s16, s17;
	s17 =	sand.u32 @!p1 $0x380, s18  }
0x37: {  	s18 =	sand.u32 @!p1 $0x7F, s11;
	s16 =	sor.u32 @!p1 s17, s16  }
0x38: {  	s17 =	sor.u32 @!p1 s18, s16  }
0x39: {  	s18 =	smulhi.u32 @!p1 $0x4EC4EC4F, s17;
	_ =	sdelay $0x1  }
0x3a: {  	s16 =	smulhi.u32 @!p1 $0x4EC4EC4F, s16;
	s18 =	sshrl.u32 @!p1 s18, $0x9  }
0x3b: {  	s18 =	smul.u32 @!p1 $0x680, s18  }
0x3c: {  	s31 =	sadd.s32 $0xFFFFFFFF, s13;
	s19 =	sxor.u32 @!p1 $0xFFFFFFFF, s13;
	s16 =	sshrl.u32 @!p1 s16, $0x9  }
0x3d: {  	s19 =	sshll.u32 @!p1 s19, $0xE;
	s16 =	sand.u32 @!p1 $0x3FFF, s16;
	s17 =	ssub.s32 @!p1 s17, s18  }
0x3e: {  	s16 =	smul.u32 @!p1 $0xD0, s16;
	s18 =	sshrl.u32 @!p1 s17, $0x3;
	s17 =	sand.u32 @!p1 $0x7, s17  }
0x3f: {  	s19 =	sand.u32 @!p1 $0x4000, s19;
	s18 =	sadd.s32 @!p1 s6, s18;
	s17 =	sshll.u32 @!p1 s17, $0x12  }
0x40: {  	s16 =	sadd.s32 @!p1 s16, s18;
	s17 =	sor.u32 @!p1 $0x400, s17;
	s18 =	simm.s32 @!p1 $0x3400  }
0x41: {  	[tilespmem:s19], [sflag:$0x1] =	stream.strided.gather @!p1 [hbm4b:s16+s17], $0x4000, s18, s17, $0x38;
	[tilespmem:$0x10100] =	vst v63  }
0x42: {  	p1 =	sge.u32 s31, s5  }
.Ltmp2:
0x43: {  	_ = 	snop;
	(pc) =	sbr.rel @p1 .LBB1_5-.Ltmp2, $1  }
0x44: {  	_ =	sdelay $0x3  }
0x45: {  	s16 =	simm.s32 $0x1  }
0x46: {  	_ =	swait.ge [sflag:s4], $0x4000;
	s16 =	simm.s32 @!p0 $0x0  }
0x47: {  	[sflag:s4] =	ssyncset.done $0x0;
	s17 =	sshll.u32 s16, $0xE  }
0x48: {  	[sflag:s4] =	ssyncadd.s32 $0xFFFFC000;
	s17 =	sor.u32 $0x40, s17  }
0x49: {  	s16 =	smul.u32 $0x10200, s16;
	v0 =	vld [tilespmem:s17+$0x30]  }
0x4a: {  	v1 =	vld [tilespmem:s17+$0xFFFFFFD0]  }
0x4b: {  	s16 =	sshrl.u32 s16, $0x2;
	v5 =	vld [tilespmem:s17+$0xFFFFFFE0]  }
0x4c: {  	v6 =	vld [tilespmem:s17+$0xFFFFFFF0];
	s19 =	sor.u32 $0x8000, s16  }
0x4d: {  	s31 =	sand.u32 $0x1, s13;
	v4 =	vld [tilespmem:s17+$0x0];
	s18 =	sadd.s32 $0x0, s19  }
0x4e: {  	v3 =	vld [tilespmem:s17+$0x10];
	s16 =	smul.u32 $0x10200, s31;
	[tilespmem:s18+$0x3870 ss:$0x81] =	vst.msk $0xffff, v0  }
0x4f: {  	v2 =	vld [tilespmem:s17+$0x20];
	[tilespmem:s18+$0x810 ss:$0x81] =	vst.msk $0xffff, v1  }
0x50: {  	s16 =	sshrl.u32 s16, $0x2;
	v1 =	vld [tilespmem:s17+$0xFFFFFFC0];
	[tilespmem:s18+$0x1020 ss:$0x81] =	vst.msk $0xffff, v5;
	s17 =	sadd.s32 $0x80, s17  }
0x51: {  	s20 =	simm.s32 $0x4;
	s21 =	simm.s32 $0x8;
	s16 =	sor.u32 $0x8000, s16;
	[tilespmem:s18+$0x1830 ss:$0x81] =	vst.msk $0xffff, v6;
	v0 =	vld [tilespmem:s17+$0x30]  }
.LBB1_3:
0x52: {  	p1 =	sne.s32 s21, $0x1FC;
	v5 =	vld [tilespmem:s17+$0xFFFFFFD0];
	[tilespmem:s18+$0x2040 ss:$0x81] =	vst.msk $0xffff, v4  }
0x53: {  	v6 =	vld [tilespmem:s17+$0xFFFFFFE0];
	[tilespmem:s18+$0x2850 ss:$0x81] =	vst.msk $0xffff, v3  }
0x54: {  	s22 =	sshra.s32 s20, $0x2;
	s20 =	smov.u32 s21;
	v7 =	vld [tilespmem:s17+$0xFFFFFFF0];
	[tilespmem:s18+$0x3060 ss:$0x81] =	vst.msk $0xffff, v2  }
.Ltmp3:
0x55: {  	v4 =	vld [tilespmem:s17+$0x0];
	[tilespmem:s18+$0x0 ss:$0x81] =	vst.msk $0xffff, v1;
	s18 =	sadd.s32 s22, s19;
	(pc) =	sbr.rel @p1 .LBB1_3-.Ltmp3, $4  }
0x56: {  	v3 =	vld [tilespmem:s17+$0x10];
	[tilespmem:s18+$0x3870 ss:$0x81] =	vst.msk $0xffff, v0  }
0x57: {  	[tilespmem:s18+$0x810 ss:$0x81] =	vst.msk $0xffff, v5;
	v2 =	vld [tilespmem:s17+$0x20]  }
0x58: {  	v1 =	vld [tilespmem:s17+$0xFFFFFFC0];
	[tilespmem:s18+$0x1020 ss:$0x81] =	vst.msk $0xffff, v6;
	s17 =	sadd.s32 $0x80, s17  }
0x59: {  	s21 =	sadd.s32 $0x4, s21;
	v0 =	vld [tilespmem:s17+$0x30];
	[tilespmem:s18+$0x1830 ss:$0x81] =	vst.msk $0xffff, v7  }
.Ltmp4:
0x5a: {  	_ = 	snop;
	(pc) =	sbr.rel .LBB1_4-.Ltmp4, $1  }
0x5b: {  	_ =	sdelay $0x3  }
.LBB1_6:
0x5c: {  	_ =	sfence.sel $0x180000  }
0x5d: {  	s2 =	simm.s32 $0x1;
	[bflag:$0x0] =	sbarrier.arrive $0xFFFF  }
0x5e: {  	s31 =	simm.s32 $0x2;
	[sflag:s2] =	ssyncpa.u1 $0x1  }
0x5f: {  	[sflag:s31] =	ssyncpa.u1 $0x1  }
0x60: {  	p0 =	sne.s32 s0, $0x0;
	_ =	strace $0x9000004A  }
0x61: {  	s0 =	sadd.s32 @!p0 $0x100000, s1;
	[bflag:$0x2] =	sbarrier.arrive $0xFFFF  }
0x62: {  	[sflag:s0] =	ssyncadd.tile.s32 @!p0 $0x1;
	_ =	shalt  }
.Lfunc_end1:
_tile_overlayer_lowered:
.L_overlay_start_2:
0x63: {  	(tag) =	ssettag $0x2  }
0x64: {  	s0 =	rddreg [dreg:$0x0];
	s2 =	stileid.u32  }
0x65: {  	s1 =	rddreg [dreg:$0x1];
	p0 =	sne.s32 s2, $0x0  }
0x66: {  	s3 =	rddreg [dreg:$0x2];
	[bflag:$0x3] =	sbarrier.arrive $0xFFFF;
	s2 =	simm.s32 @!p0 $0x1C01  }
0x67: {  	[timem:s3], [sflag:s2] =	dma.local @!p0 [hbm:s0], s1  }
0x68: {  	s0 =	simm.s32 @!p0 $0x1  }
0x69: {  	_ =	swait.ge @!p0 [sflag:s0], s1  }
0x6a: {  	s1 =	ssub.s32 @!p0 $0x0, s1;
	[sflag:s0] =	ssyncset.done @!p0 $0x0  }
0x6b: {  	[sflag:s0] =	ssyncadd.s32 @!p0 s1  }
0x6c: {  	[bflag:$0x3] =	sbarrier.arrive $0xFFFF  }
0x6d: {  	_ =	shalt  }

</sc_bundles>
